<compile_context>
chip_gen: v7x
topology: tpu7x:2x2x1
jax: 0.10.2.dev20260603
libtpu: 0.0.44.dev20260713+nightly
codegen_flags: <defaults>
</compile_context>

<pallas_src>
import jax
import jax.numpy as jnp
from jax import lax
from jax.experimental import pallas as pl
from jax.experimental.pallas import tpu as pltpu
from jax.experimental.pallas import tpu_sc as plsc

B = 16384
EMB = 128
NC = 2
NS = 16
NW = NC * NS
BPW = B // NW
CHUNK = 64
NCHUNK = BPW // CHUNK


def _sc_body(users_hbm, items_hbm, negs_hbm, umem_hbm, imem_hbm, vw_hbm,
             pos_hbm, neg_hbm,
             uidx_v, iidx_v, nidx_v,
             u_b0, i_b0, n_b0, u_b1, i_b1, n_b1,
             v_v, pos_v, neg_v, sem0, sem1):
    wid = lax.axis_index("s") * NC + lax.axis_index("c")
    base = wid * BPW
    pltpu.sync_copy(vw_hbm.at[0], v_v)
    pltpu.sync_copy(users_hbm.at[pl.ds(base, BPW)], uidx_v)
    pltpu.sync_copy(items_hbm.at[pl.ds(base, BPW)], iidx_v)
    pltpu.sync_copy(negs_hbm.at[pl.ds(base, BPW)], nidx_v)

    bufs = [(u_b0, i_b0, n_b0, sem0), (u_b1, i_b1, n_b1, sem1)]

    def start(c, parity):
        ub, ib, nb, sem = bufs[parity]
        sl = pl.ds(c * CHUNK, CHUNK)
        pltpu.async_copy(umem_hbm.at[uidx_v.at[sl]], ub, sem)
        pltpu.async_copy(imem_hbm.at[iidx_v.at[sl]], ib, sem)
        pltpu.async_copy(imem_hbm.at[nidx_v.at[sl]], nb, sem)

    def drain(parity):
        ub, ib, nb, sem = bufs[parity]
        dummy = umem_hbm.at[pl.ds(0, CHUNK)]
        pltpu.make_async_copy(dummy, ub, sem).wait()
        pltpu.make_async_copy(dummy, ib, sem).wait()
        pltpu.make_async_copy(dummy, nb, sem).wait()

    vj = [v_v[pl.ds(16 * j, 16)] for j in range(EMB // 16)]
    last_lane = lax.iota(jnp.int32, 16) == 15

    def compute_chunk(c, parity):
        urows_v, irows_v, nrows_v, _ = bufs[parity]
        outbase = c * CHUNK

        @plsc.parallel_loop(0, CHUNK, 1, unroll=2,
                            carry=jnp.full((16,), outbase, jnp.int32))
        def row_body(r, ridx):
            sls = [pl.ds(16 * j, 16) for j in range(EMB // 16)]
            us = [urows_v[r, sl] for sl in sls]
            is_ = [irows_v[r, sl] for sl in sls]
            ns = [nrows_v[r, sl] for sl in sls]
            ts = [us[j] * vj[j] for j in range(EMB // 16)]
            ap0 = ap1 = an0 = an1 = None
            for j in range(EMB // 16):
                p = ts[j] * is_[j]
                n = ts[j] * ns[j]
                if j % 2 == 0:
                    ap0 = p if ap0 is None else ap0 + p
                    an0 = n if an0 is None else an0 + n
                else:
                    ap1 = p if ap1 is None else ap1 + p
                    an1 = n if an1 is None else an1 + n
            sp = jnp.cumsum(ap0 + ap1)
            sn = jnp.cumsum(an0 + an1)
            plsc.store_scatter(pos_v, [ridx], jnp.maximum(sp, 0.0),
                               mask=last_lane)
            plsc.store_scatter(neg_v, [ridx], jnp.maximum(sn, 0.0),
                               mask=last_lane)
            return ridx + 1

    start(0, 0)
    start(1, 1)

    def pair_body(p, carry):
        c0 = 2 * p
        for parity in range(2):
            c = c0 + parity
            drain(parity)
            compute_chunk(c, parity)

            @pl.when(c + 2 < NCHUNK)
            def _():
                start(c + 2, parity)

        return carry

    lax.fori_loop(0, NCHUNK // 2, pair_body, 0)

    pltpu.sync_copy(pos_v, pos_hbm.at[pl.ds(base, BPW)])
    pltpu.sync_copy(neg_v, neg_hbm.at[pl.ds(base, BPW)])


@jax.jit
def _run(users, items, negs, umem, imem, vw):
    f = pl.kernel(
        _sc_body,
        out_type=(
            jax.ShapeDtypeStruct((B,), jnp.float32),
            jax.ShapeDtypeStruct((B,), jnp.float32),
        ),
        mesh=plsc.VectorSubcoreMesh(core_axis_name="c", subcore_axis_name="s"),
        compiler_params=pltpu.CompilerParams(use_tc_tiling_on_sc=False,
                                             needs_layout_passes=False),
        scratch_types=[
            pltpu.VMEM((BPW,), jnp.int32),
            pltpu.VMEM((BPW,), jnp.int32),
            pltpu.VMEM((BPW,), jnp.int32),
            pltpu.VMEM((CHUNK, EMB), jnp.float32),
            pltpu.VMEM((CHUNK, EMB), jnp.float32),
            pltpu.VMEM((CHUNK, EMB), jnp.float32),
            pltpu.VMEM((CHUNK, EMB), jnp.float32),
            pltpu.VMEM((CHUNK, EMB), jnp.float32),
            pltpu.VMEM((CHUNK, EMB), jnp.float32),
            pltpu.VMEM((EMB,), jnp.float32),
            pltpu.VMEM((BPW,), jnp.float32),
            pltpu.VMEM((BPW,), jnp.float32),
            pltpu.SemaphoreType.DMA,
            pltpu.SemaphoreType.DMA,
        ],
    )
    return f(users, items, negs, umem, imem, vw)


def kernel(input_users, input_items, input_items_negative, user_memory,
           item_memory, v_w):
    pos, neg = _run(input_users.astype(jnp.int32),
                    input_items.astype(jnp.int32),
                    input_items_negative.astype(jnp.int32),
                    user_memory, item_memory, v_w)
    return pos.reshape(B, 1), neg.reshape(B, 1)

# --- scband reference (transcript-rebuilt; emitter-appended) ---
"""Pipeline reference for scband-pairwise-gmf-43645457662549 (READ-ONLY COPY).

The authoritative reference and input builder live on the scoring server;
editing this copy changes nothing except your own understanding.
"""

import jax, jax.numpy as jnp
import numpy as np

N_USERS = 100000
N_ITEMS = 100000
EMB = 128
B = 16384


def setup_inputs(seed: int = 0) -> dict:
    key = jax.random.key(seed)
    k1, k2, k3, k4, k5, k6 = jax.random.split(key, 6)
    # index inputs
    input_users = jax.random.randint(k1, (B,), 0, N_USERS, dtype=jnp.int64 if jax.config.jax_enable_x64 else jnp.int32)
    input_items = jax.random.randint(k2, (B,), 0, N_ITEMS, dtype=jnp.int64 if jax.config.jax_enable_x64 else jnp.int32)
    input_items_negative = jax.random.randint(k3, (B,), 0, N_ITEMS, dtype=jnp.int64 if jax.config.jax_enable_x64 else jnp.int32)
    # learned parameters (truncated-normal std=0.01 approximated by clipped normal)
    user_memory = jnp.clip(jax.random.normal(k4, (N_USERS, EMB), dtype=jnp.float32), -2.0, 2.0) * 0.01
    item_memory = jnp.clip(jax.random.normal(k5, (N_ITEMS, EMB), dtype=jnp.float32), -2.0, 2.0) * 0.01
    # xavier uniform for v: Linear(emb_dim, 1, bias=False) -> weight shape [1, EMB]
    limit = float(np.sqrt(6.0 / (EMB + 1)))
    v_w = jax.random.uniform(k6, (1, EMB), dtype=jnp.float32, minval=-limit, maxval=limit)
    return {
        'input_users': input_users,
        'input_items': input_items,
        'input_items_negative': input_items_negative,
        'user_memory': user_memory,
        'item_memory': item_memory,
        'v_w': v_w,
    }


def reference(input_users, input_items, input_items_negative, user_memory, item_memory, v_w):
    # embedding lookups (gather)
    cur_user = jnp.take(user_memory, input_users, axis=0)
    cur_item = jnp.take(item_memory, input_items, axis=0)
    cur_item_negative = jnp.take(item_memory, input_items_negative, axis=0)
    # pos_score = relu(Linear(cur_user * cur_item)) ; Linear has no bias
    pos_score = jax.nn.relu((cur_user * cur_item) @ v_w.T)
    neg_score = jax.nn.relu((cur_user * cur_item_negative) @ v_w.T)
    return (pos_score, neg_score)

if __name__ == "__main__":
    import jax
    _d = setup_inputs()
    print(jax.jit(kernel)(*tuple(_d.values())))

</pallas_src>

<mosaic_0001>
#map = affine_map<(d0, d1) -> (0)>
#map1 = affine_map<(d0, d1) -> (0, 0)>
module attributes {stable_mosaic.version = 14 : i64} {
  func.func @_sc_body(%arg0: i32, %arg1: i32, %arg2: memref<16384xi32, #tpu.memory_space<hbm>>, %arg3: memref<16384xi32, #tpu.memory_space<hbm>>, %arg4: memref<16384xi32, #tpu.memory_space<hbm>>, %arg5: memref<100000x128xf32, #tpu.memory_space<hbm>>, %arg6: memref<100000x128xf32, #tpu.memory_space<hbm>>, %arg7: memref<1x128xf32, #tpu.memory_space<hbm>>, %arg8: memref<16384xf32, #tpu.memory_space<hbm>>, %arg9: memref<16384xf32, #tpu.memory_space<hbm>>, %arg10: memref<512xi32, #tpu.memory_space<vmem>>, %arg11: memref<512xi32, #tpu.memory_space<vmem>>, %arg12: memref<512xi32, #tpu.memory_space<vmem>>, %arg13: memref<64x128xf32, #tpu.memory_space<vmem>>, %arg14: memref<64x128xf32, #tpu.memory_space<vmem>>, %arg15: memref<64x128xf32, #tpu.memory_space<vmem>>, %arg16: memref<64x128xf32, #tpu.memory_space<vmem>>, %arg17: memref<64x128xf32, #tpu.memory_space<vmem>>, %arg18: memref<64x128xf32, #tpu.memory_space<vmem>>, %arg19: memref<128xf32, #tpu.memory_space<vmem>>, %arg20: memref<512xf32, #tpu.memory_space<vmem>>, %arg21: memref<512xf32, #tpu.memory_space<vmem>>, %arg22: memref<!tpu.dma_semaphore, #tpu.memory_space<semaphore_mem>>, %arg23: memref<!tpu.dma_semaphore, #tpu.memory_space<semaphore_mem>>) attributes {dimension_semantics = [#tpu.dimension_semantics<core_parallel>, #tpu.dimension_semantics<subcore_parallel>], iteration_bounds = array<i64: 2, 16>, scalar_prefetch = 0 : i64, scratch_operands = 14 : i64, tpu.core_type = #tpu.core_type<sc_vector_subcore>, window_params = [{transform_indices = #map}, {transform_indices = #map}, {transform_indices = #map}, {transform_indices = #map1}, {transform_indices = #map1}, {transform_indices = #map1}, {transform_indices = #map}, {transform_indices = #map}]} {
    %mul3A = arith.constant 2 : i32
    %mul3A_0 = arith.muli %arg1, %mul3A : i32
    %add3A = arith.addi %mul3A_0, %arg0 : i32
    %mul3A_1 = arith.constant 512 : i32
    %mul3A_2 = arith.muli %add3A, %mul3A_1 : i32
    %run_scoped3A = arith.constant 0 : i32
    "tpu.region"() ({
      %run_scoped3A_54 = tpu.sem_alloc : memref<!tpu.dma_semaphore, #tpu.memory_space<semaphore_mem>>
      %dma_start3A_55 = arith.constant 0 : i32
      %dma_start3A_56 = tpu.memref_slice %arg7[%run_scoped3A, %dma_start3A_55] : memref<1x128xf32, #tpu.memory_space<hbm>> -> memref<1x128xf32, #tpu.memory_space<hbm>>
      %dma_start3A_57 = tpu.memref_squeeze %dma_start3A_56 : memref<1x128xf32, #tpu.memory_space<hbm>> -> memref<128xf32, #tpu.memory_space<hbm>>
      %dma_start3A_58 = arith.constant 0 : i32
      %dma_start3A_59 = tpu.memref_slice %arg7[%run_scoped3A, %dma_start3A_58] : memref<1x128xf32, #tpu.memory_space<hbm>> -> memref<1x128xf32, #tpu.memory_space<hbm>>
      %dma_start3A_60 = tpu.memref_squeeze %dma_start3A_59 : memref<1x128xf32, #tpu.memory_space<hbm>> -> memref<128xf32, #tpu.memory_space<hbm>>
      tpu.enqueue_dma source(%dma_start3A_60 : memref<128xf32, #tpu.memory_space<hbm>>) target(%arg19 : memref<128xf32, #tpu.memory_space<vmem>>) target_semaphore(%run_scoped3A_54 : memref<!tpu.dma_semaphore, #tpu.memory_space<semaphore_mem>>)
      %dma_wait3A = arith.constant 0 : i32
      %dma_wait3A_61 = tpu.memref_slice %arg7[%run_scoped3A, %dma_wait3A] : memref<1x128xf32, #tpu.memory_space<hbm>> -> memref<1x128xf32, #tpu.memory_space<hbm>>
      %dma_wait3A_62 = tpu.memref_squeeze %dma_wait3A_61 : memref<1x128xf32, #tpu.memory_space<hbm>> -> memref<128xf32, #tpu.memory_space<hbm>>
      %dma_wait3A_63 = arith.constant 0 : i32
      %dma_wait3A_64 = tpu.memref_slice %arg7[%run_scoped3A, %dma_wait3A_63] : memref<1x128xf32, #tpu.memory_space<hbm>> -> memref<1x128xf32, #tpu.memory_space<hbm>>
      %dma_wait3A_65 = tpu.memref_squeeze %dma_wait3A_64 : memref<1x128xf32, #tpu.memory_space<hbm>> -> memref<128xf32, #tpu.memory_space<hbm>>
      tpu.wait_dma2 semaphore(%run_scoped3A_54 : memref<!tpu.dma_semaphore, #tpu.memory_space<semaphore_mem>>) src(%dma_wait3A_65 : memref<128xf32, #tpu.memory_space<hbm>>) dst(%arg19 : memref<128xf32, #tpu.memory_space<vmem>>)
      tpu.yield
    }) : () -> ()
    "tpu.region"() ({
      %run_scoped3A_54 = tpu.sem_alloc : memref<!tpu.dma_semaphore, #tpu.memory_space<semaphore_mem>>
      %dma_start3A_55 = tpu.memref_slice %arg2[%mul3A_2] : memref<16384xi32, #tpu.memory_space<hbm>> -> memref<512xi32, #tpu.memory_space<hbm>>
      %dma_start3A_56 = tpu.memref_slice %arg2[%mul3A_2] : memref<16384xi32, #tpu.memory_space<hbm>> -> memref<512xi32, #tpu.memory_space<hbm>>
      tpu.enqueue_dma source(%dma_start3A_56 : memref<512xi32, #tpu.memory_space<hbm>>) target(%arg10 : memref<512xi32, #tpu.memory_space<vmem>>) target_semaphore(%run_scoped3A_54 : memref<!tpu.dma_semaphore, #tpu.memory_space<semaphore_mem>>)
      %dma_wait3A = tpu.memref_slice %arg2[%mul3A_2] : memref<16384xi32, #tpu.memory_space<hbm>> -> memref<512xi32, #tpu.memory_space<hbm>>
      %dma_wait3A_57 = tpu.memref_slice %arg2[%mul3A_2] : memref<16384xi32, #tpu.memory_space<hbm>> -> memref<512xi32, #tpu.memory_space<hbm>>
      tpu.wait_dma2 semaphore(%run_scoped3A_54 : memref<!tpu.dma_semaphore, #tpu.memory_space<semaphore_mem>>) src(%dma_wait3A_57 : memref<512xi32, #tpu.memory_space<hbm>>) dst(%arg10 : memref<512xi32, #tpu.memory_space<vmem>>)
      tpu.yield
    }) : () -> ()
    "tpu.region"() ({
      %run_scoped3A_54 = tpu.sem_alloc : memref<!tpu.dma_semaphore, #tpu.memory_space<semaphore_mem>>
      %dma_start3A_55 = tpu.memref_slice %arg3[%mul3A_2] : memref<16384xi32, #tpu.memory_space<hbm>> -> memref<512xi32, #tpu.memory_space<hbm>>
      %dma_start3A_56 = tpu.memref_slice %arg3[%mul3A_2] : memref<16384xi32, #tpu.memory_space<hbm>> -> memref<512xi32, #tpu.memory_space<hbm>>
      tpu.enqueue_dma source(%dma_start3A_56 : memref<512xi32, #tpu.memory_space<hbm>>) target(%arg11 : memref<512xi32, #tpu.memory_space<vmem>>) target_semaphore(%run_scoped3A_54 : memref<!tpu.dma_semaphore, #tpu.memory_space<semaphore_mem>>)
      %dma_wait3A = tpu.memref_slice %arg3[%mul3A_2] : memref<16384xi32, #tpu.memory_space<hbm>> -> memref<512xi32, #tpu.memory_space<hbm>>
      %dma_wait3A_57 = tpu.memref_slice %arg3[%mul3A_2] : memref<16384xi32, #tpu.memory_space<hbm>> -> memref<512xi32, #tpu.memory_space<hbm>>
      tpu.wait_dma2 semaphore(%run_scoped3A_54 : memref<!tpu.dma_semaphore, #tpu.memory_space<semaphore_mem>>) src(%dma_wait3A_57 : memref<512xi32, #tpu.memory_space<hbm>>) dst(%arg11 : memref<512xi32, #tpu.memory_space<vmem>>)
      tpu.yield
    }) : () -> ()
    "tpu.region"() ({
      %run_scoped3A_54 = tpu.sem_alloc : memref<!tpu.dma_semaphore, #tpu.memory_space<semaphore_mem>>
      %dma_start3A_55 = tpu.memref_slice %arg4[%mul3A_2] : memref<16384xi32, #tpu.memory_space<hbm>> -> memref<512xi32, #tpu.memory_space<hbm>>
      %dma_start3A_56 = tpu.memref_slice %arg4[%mul3A_2] : memref<16384xi32, #tpu.memory_space<hbm>> -> memref<512xi32, #tpu.memory_space<hbm>>
      tpu.enqueue_dma source(%dma_start3A_56 : memref<512xi32, #tpu.memory_space<hbm>>) target(%arg12 : memref<512xi32, #tpu.memory_space<vmem>>) target_semaphore(%run_scoped3A_54 : memref<!tpu.dma_semaphore, #tpu.memory_space<semaphore_mem>>)
      %dma_wait3A = tpu.memref_slice %arg4[%mul3A_2] : memref<16384xi32, #tpu.memory_space<hbm>> -> memref<512xi32, #tpu.memory_space<hbm>>
      %dma_wait3A_57 = tpu.memref_slice %arg4[%mul3A_2] : memref<16384xi32, #tpu.memory_space<hbm>> -> memref<512xi32, #tpu.memory_space<hbm>>
      tpu.wait_dma2 semaphore(%run_scoped3A_54 : memref<!tpu.dma_semaphore, #tpu.memory_space<semaphore_mem>>) src(%dma_wait3A_57 : memref<512xi32, #tpu.memory_space<hbm>>) dst(%arg12 : memref<512xi32, #tpu.memory_space<vmem>>)
      tpu.yield
    }) : () -> ()
    %get3A = arith.constant 0 : index
    %get3A_3 = tpu.vector_load %arg19[%get3A] {strides = array<i32>} : memref<128xf32, #tpu.memory_space<vmem>>, vector<16xf32>,
    %get3A_4 = arith.constant 16 : index
    %get3A_5 = tpu.vector_load %arg19[%get3A_4] {strides = array<i32>} : memref<128xf32, #tpu.memory_space<vmem>>, vector<16xf32>,
    %get3A_6 = arith.constant 32 : index
    %get3A_7 = tpu.vector_load %arg19[%get3A_6] {strides = array<i32>} : memref<128xf32, #tpu.memory_space<vmem>>, vector<16xf32>,
    %get3A_8 = arith.constant 48 : index
    %get3A_9 = tpu.vector_load %arg19[%get3A_8] {strides = array<i32>} : memref<128xf32, #tpu.memory_space<vmem>>, vector<16xf32>,
    %get3A_10 = arith.constant 64 : index
    %get3A_11 = tpu.vector_load %arg19[%get3A_10] {strides = array<i32>} : memref<128xf32, #tpu.memory_space<vmem>>, vector<16xf32>,
    %get3A_12 = arith.constant 80 : index
    %get3A_13 = tpu.vector_load %arg19[%get3A_12] {strides = array<i32>} : memref<128xf32, #tpu.memory_space<vmem>>, vector<16xf32>,
    %get3A_14 = arith.constant 96 : index
    %get3A_15 = tpu.vector_load %arg19[%get3A_14] {strides = array<i32>} : memref<128xf32, #tpu.memory_space<vmem>>, vector<16xf32>,
    %get3A_16 = arith.constant 112 : index
    %get3A_17 = tpu.vector_load %arg19[%get3A_16] {strides = array<i32>} : memref<128xf32, #tpu.memory_space<vmem>>, vector<16xf32>,
    %iota3A = tpu.iota {dimensions = array<i32: 0>} : vector<16xi32>
    %eq3A = arith.constant 15 : i32
    %eq3A_18 = vector.broadcast %eq3A : i32 to vector<16xi32>
    %eq3A_19 = arith.cmpi eq, %iota3A, %eq3A_18 : vector<16xi32>
    %dma_start3A = arith.constant 0 : i32
    %dma_start3A_20 = tpu.memref_slice %arg10[%dma_start3A] : memref<512xi32, #tpu.memory_space<vmem>> -> memref<64xi32, #tpu.memory_space<vmem>>
    %dma_start3A_21 = arith.constant 0 : i32
    %dma_start3A_22 = arith.constant 0 : i32
    %dma_start3A_23 = tpu.memref_slice %arg5[%dma_start3A_21, %dma_start3A_22] : memref<100000x128xf32, #tpu.memory_space<hbm>> -> memref<100000x128xf32, #tpu.memory_space<hbm>>
    tpu.enqueue_indirect_dma source(%dma_start3A_23 : memref<100000x128xf32, #tpu.memory_space<hbm>>) target(%arg13 : memref<64x128xf32, #tpu.memory_space<vmem>>) offsets(%dma_start3A_20 : memref<64xi32, #tpu.memory_space<vmem>>) semaphore(%arg22 : memref<!tpu.dma_semaphore, #tpu.memory_space<semaphore_mem>>)
    %dma_start3A_24 = arith.constant 0 : i32
    %dma_start3A_25 = tpu.memref_slice %arg11[%dma_start3A_24] : memref<512xi32, #tpu.memory_space<vmem>> -> memref<64xi32, #tpu.memory_space<vmem>>
    %dma_start3A_26 = arith.constant 0 : i32
    %dma_start3A_27 = arith.constant 0 : i32
    %dma_start3A_28 = tpu.memref_slice %arg6[%dma_start3A_26, %dma_start3A_27] : memref<100000x128xf32, #tpu.memory_space<hbm>> -> memref<100000x128xf32, #tpu.memory_space<hbm>>
    tpu.enqueue_indirect_dma source(%dma_start3A_28 : memref<100000x128xf32, #tpu.memory_space<hbm>>) target(%arg14 : memref<64x128xf32, #tpu.memory_space<vmem>>) offsets(%dma_start3A_25 : memref<64xi32, #tpu.memory_space<vmem>>) semaphore(%arg22 : memref<!tpu.dma_semaphore, #tpu.memory_space<semaphore_mem>>)
    %dma_start3A_29 = arith.constant 0 : i32
    %dma_start3A_30 = tpu.memref_slice %arg12[%dma_start3A_29] : memref<512xi32, #tpu.memory_space<vmem>> -> memref<64xi32, #tpu.memory_space<vmem>>
    %dma_start3A_31 = arith.constant 0 : i32
    %dma_start3A_32 = arith.constant 0 : i32
    %dma_start3A_33 = tpu.memref_slice %arg6[%dma_start3A_31, %dma_start3A_32] : memref<100000x128xf32, #tpu.memory_space<hbm>> -> memref<100000x128xf32, #tpu.memory_space<hbm>>
    tpu.enqueue_indirect_dma source(%dma_start3A_33 : memref<100000x128xf32, #tpu.memory_space<hbm>>) target(%arg15 : memref<64x128xf32, #tpu.memory_space<vmem>>) offsets(%dma_start3A_30 : memref<64xi32, #tpu.memory_space<vmem>>) semaphore(%arg22 : memref<!tpu.dma_semaphore, #tpu.memory_space<semaphore_mem>>)
    %dma_start3A_34 = arith.constant 64 : i32
    %dma_start3A_35 = tpu.memref_slice %arg10[%dma_start3A_34] : memref<512xi32, #tpu.memory_space<vmem>> -> memref<64xi32, #tpu.memory_space<vmem>>
    %dma_start3A_36 = arith.constant 0 : i32
    %dma_start3A_37 = arith.constant 0 : i32
    %dma_start3A_38 = tpu.memref_slice %arg5[%dma_start3A_36, %dma_start3A_37] : memref<100000x128xf32, #tpu.memory_space<hbm>> -> memref<100000x128xf32, #tpu.memory_space<hbm>>
    tpu.enqueue_indirect_dma source(%dma_start3A_38 : memref<100000x128xf32, #tpu.memory_space<hbm>>) target(%arg16 : memref<64x128xf32, #tpu.memory_space<vmem>>) offsets(%dma_start3A_35 : memref<64xi32, #tpu.memory_space<vmem>>) semaphore(%arg23 : memref<!tpu.dma_semaphore, #tpu.memory_space<semaphore_mem>>)
    %dma_start3A_39 = arith.constant 64 : i32
    %dma_start3A_40 = tpu.memref_slice %arg11[%dma_start3A_39] : memref<512xi32, #tpu.memory_space<vmem>> -> memref<64xi32, #tpu.memory_space<vmem>>
    %dma_start3A_41 = arith.constant 0 : i32
    %dma_start3A_42 = arith.constant 0 : i32
    %dma_start3A_43 = tpu.memref_slice %arg6[%dma_start3A_41, %dma_start3A_42] : memref<100000x128xf32, #tpu.memory_space<hbm>> -> memref<100000x128xf32, #tpu.memory_space<hbm>>
    tpu.enqueue_indirect_dma source(%dma_start3A_43 : memref<100000x128xf32, #tpu.memory_space<hbm>>) target(%arg17 : memref<64x128xf32, #tpu.memory_space<vmem>>) offsets(%dma_start3A_40 : memref<64xi32, #tpu.memory_space<vmem>>) semaphore(%arg23 : memref<!tpu.dma_semaphore, #tpu.memory_space<semaphore_mem>>)
    %dma_start3A_44 = arith.constant 64 : i32
    %dma_start3A_45 = tpu.memref_slice %arg12[%dma_start3A_44] : memref<512xi32, #tpu.memory_space<vmem>> -> memref<64xi32, #tpu.memory_space<vmem>>
    %dma_start3A_46 = arith.constant 0 : i32
    %dma_start3A_47 = arith.constant 0 : i32
    %dma_start3A_48 = tpu.memref_slice %arg6[%dma_start3A_46, %dma_start3A_47] : memref<100000x128xf32, #tpu.memory_space<hbm>> -> memref<100000x128xf32, #tpu.memory_space<hbm>>
    tpu.enqueue_indirect_dma source(%dma_start3A_48 : memref<100000x128xf32, #tpu.memory_space<hbm>>) target(%arg18 : memref<64x128xf32, #tpu.memory_space<vmem>>) offsets(%dma_start3A_45 : memref<64xi32, #tpu.memory_space<vmem>>) semaphore(%arg23 : memref<!tpu.dma_semaphore, #tpu.memory_space<semaphore_mem>>)
    %scan3A = arith.constant 0 : i32
    %scan3A_49 = arith.constant 0 : i32
    %scan3A_50 = arith.constant 4 : i32
    %scan3A_51 = arith.addi %scan3A_49, %scan3A_50 : i32
    %scan3A_52 = arith.constant 1 : i32
    scf.for %scan3A_54 = %scan3A_49 to %scan3A_51 step %scan3A_52  : i32 {
      %mul3A_55 = arith.constant 2 : i32
      %mul3A_56 = arith.muli %mul3A_55, %scan3A_54 : i32
      %add3A_57 = arith.constant 0 : i32
      %add3A_58 = arith.addi %mul3A_56, %add3A_57 : i32
      %dma_wait3A = arith.constant 0 : i32
      %dma_wait3A_59 = arith.constant 0 : i32
      %dma_wait3A_60 = tpu.memref_slice %arg5[%dma_wait3A, %dma_wait3A_59] : memref<100000x128xf32, #tpu.memory_space<hbm>> -> memref<64x128xf32, #tpu.memory_space<hbm>>
      %dma_wait3A_61 = arith.constant 0 : i32
      %dma_wait3A_62 = arith.constant 0 : i32
      %dma_wait3A_63 = tpu.memref_slice %arg5[%dma_wait3A_61, %dma_wait3A_62] : memref<100000x128xf32, #tpu.memory_space<hbm>> -> memref<64x128xf32, #tpu.memory_space<hbm>>
      tpu.wait_dma2 semaphore(%arg22 : memref<!tpu.dma_semaphore, #tpu.memory_space<semaphore_mem>>) src(%dma_wait3A_63 : memref<64x128xf32, #tpu.memory_space<hbm>>) dst(%arg13 : memref<64x128xf32, #tpu.memory_space<vmem>>)
      %dma_wait3A_64 = arith.constant 0 : i32
      %dma_wait3A_65 = arith.constant 0 : i32
      %dma_wait3A_66 = tpu.memref_slice %arg5[%dma_wait3A_64, %dma_wait3A_65] : memref<100000x128xf32, #tpu.memory_space<hbm>> -> memref<64x128xf32, #tpu.memory_space<hbm>>
      %dma_wait3A_67 = arith.constant 0 : i32
      %dma_wait3A_68 = arith.constant 0 : i32
      %dma_wait3A_69 = tpu.memref_slice %arg5[%dma_wait3A_67, %dma_wait3A_68] : memref<100000x128xf32, #tpu.memory_space<hbm>> -> memref<64x128xf32, #tpu.memory_space<hbm>>
      tpu.wait_dma2 semaphore(%arg22 : memref<!tpu.dma_semaphore, #tpu.memory_space<semaphore_mem>>) src(%dma_wait3A_69 : memref<64x128xf32, #tpu.memory_space<hbm>>) dst(%arg14 : memref<64x128xf32, #tpu.memory_space<vmem>>)
      %dma_wait3A_70 = arith.constant 0 : i32
      %dma_wait3A_71 = arith.constant 0 : i32
      %dma_wait3A_72 = tpu.memref_slice %arg5[%dma_wait3A_70, %dma_wait3A_71] : memref<100000x128xf32, #tpu.memory_space<hbm>> -> memref<64x128xf32, #tpu.memory_space<hbm>>
      %dma_wait3A_73 = arith.constant 0 : i32
      %dma_wait3A_74 = arith.constant 0 : i32
      %dma_wait3A_75 = tpu.memref_slice %arg5[%dma_wait3A_73, %dma_wait3A_74] : memref<100000x128xf32, #tpu.memory_space<hbm>> -> memref<64x128xf32, #tpu.memory_space<hbm>>
      tpu.wait_dma2 semaphore(%arg22 : memref<!tpu.dma_semaphore, #tpu.memory_space<semaphore_mem>>) src(%dma_wait3A_75 : memref<64x128xf32, #tpu.memory_space<hbm>>) dst(%arg15 : memref<64x128xf32, #tpu.memory_space<vmem>>)
      %mul3A_76 = arith.constant 64 : i32
      %mul3A_77 = arith.muli %add3A_58, %mul3A_76 : i32
      %broadcast_in_dim3A = vector.broadcast %mul3A_77 : i32 to vector<16xi32>
      %parallel_loop3A = arith.constant 0 : i32
      %parallel_loop3A_78 = arith.constant 64 : i32
      %parallel_loop3A_79 = arith.constant 1 : i32
      %parallel_loop3A_80 = scf.for %parallel_loop3A_119 = %parallel_loop3A to %parallel_loop3A_78 step %parallel_loop3A_79 iter_args(%parallel_loop3A_120 = %broadcast_in_dim3A) -> (vector<16xi32>)  : i32 {
        %parallel_loop3A_121 = arith.index_cast %parallel_loop3A_119 : i32 to index
        %parallel_loop3A_122 = arith.constant 0 : index
        %parallel_loop3A_123 = tpu.vector_load %arg13[%parallel_loop3A_121, %parallel_loop3A_122] {strides = array<i32>} : memref<64x128xf32, #tpu.memory_space<vmem>>, vector<16xf32>,
        %parallel_loop3A_124 = arith.index_cast %parallel_loop3A_119 : i32 to index
        %parallel_loop3A_125 = arith.constant 16 : index
        %parallel_loop3A_126 = tpu.vector_load %arg13[%parallel_loop3A_124, %parallel_loop3A_125] {strides = array<i32>} : memref<64x128xf32, #tpu.memory_space<vmem>>, vector<16xf32>,
        %parallel_loop3A_127 = arith.index_cast %parallel_loop3A_119 : i32 to index
        %parallel_loop3A_128 = arith.constant 32 : index
        %parallel_loop3A_129 = tpu.vector_load %arg13[%parallel_loop3A_127, %parallel_loop3A_128] {strides = array<i32>} : memref<64x128xf32, #tpu.memory_space<vmem>>, vector<16xf32>,
        %parallel_loop3A_130 = arith.index_cast %parallel_loop3A_119 : i32 to index
        %parallel_loop3A_131 = arith.constant 48 : index
        %parallel_loop3A_132 = tpu.vector_load %arg13[%parallel_loop3A_130, %parallel_loop3A_131] {strides = array<i32>} : memref<64x128xf32, #tpu.memory_space<vmem>>, vector<16xf32>,
        %parallel_loop3A_133 = arith.index_cast %parallel_loop3A_119 : i32 to index
        %parallel_loop3A_134 = arith.constant 64 : index
        %parallel_loop3A_135 = tpu.vector_load %arg13[%parallel_loop3A_133, %parallel_loop3A_134] {strides = array<i32>} : memref<64x128xf32, #tpu.memory_space<vmem>>, vector<16xf32>,
        %parallel_loop3A_136 = arith.index_cast %parallel_loop3A_119 : i32 to index
        %parallel_loop3A_137 = arith.constant 80 : index
        %parallel_loop3A_138 = tpu.vector_load %arg13[%parallel_loop3A_136, %parallel_loop3A_137] {strides = array<i32>} : memref<64x128xf32, #tpu.memory_space<vmem>>, vector<16xf32>,
        %parallel_loop3A_139 = arith.index_cast %parallel_loop3A_119 : i32 to index
        %parallel_loop3A_140 = arith.constant 96 : index
        %parallel_loop3A_141 = tpu.vector_load %arg13[%parallel_loop3A_139, %parallel_loop3A_140] {strides = array<i32>} : memref<64x128xf32, #tpu.memory_space<vmem>>, vector<16xf32>,
        %parallel_loop3A_142 = arith.index_cast %parallel_loop3A_119 : i32 to index
        %parallel_loop3A_143 = arith.constant 112 : index
        %parallel_loop3A_144 = tpu.vector_load %arg13[%parallel_loop3A_142, %parallel_loop3A_143] {strides = array<i32>} : memref<64x128xf32, #tpu.memory_space<vmem>>, vector<16xf32>,
        %parallel_loop3A_145 = arith.index_cast %parallel_loop3A_119 : i32 to index
        %parallel_loop3A_146 = arith.constant 0 : index
        %parallel_loop3A_147 = tpu.vector_load %arg14[%parallel_loop3A_145, %parallel_loop3A_146] {strides = array<i32>} : memref<64x128xf32, #tpu.memory_space<vmem>>, vector<16xf32>,
        %parallel_loop3A_148 = arith.index_cast %parallel_loop3A_119 : i32 to index
        %parallel_loop3A_149 = arith.constant 16 : index
        %parallel_loop3A_150 = tpu.vector_load %arg14[%parallel_loop3A_148, %parallel_loop3A_149] {strides = array<i32>} : memref<64x128xf32, #tpu.memory_space<vmem>>, vector<16xf32>,
        %parallel_loop3A_151 = arith.index_cast %parallel_loop3A_119 : i32 to index
        %parallel_loop3A_152 = arith.constant 32 : index
        %parallel_loop3A_153 = tpu.vector_load %arg14[%parallel_loop3A_151, %parallel_loop3A_152] {strides = array<i32>} : memref<64x128xf32, #tpu.memory_space<vmem>>, vector<16xf32>,
        %parallel_loop3A_154 = arith.index_cast %parallel_loop3A_119 : i32 to index
        %parallel_loop3A_155 = arith.constant 48 : index
        %parallel_loop3A_156 = tpu.vector_load %arg14[%parallel_loop3A_154, %parallel_loop3A_155] {strides = array<i32>} : memref<64x128xf32, #tpu.memory_space<vmem>>, vector<16xf32>,
        %parallel_loop3A_157 = arith.index_cast %parallel_loop3A_119 : i32 to index
        %parallel_loop3A_158 = arith.constant 64 : index
        %parallel_loop3A_159 = tpu.vector_load %arg14[%parallel_loop3A_157, %parallel_loop3A_158] {strides = array<i32>} : memref<64x128xf32, #tpu.memory_space<vmem>>, vector<16xf32>,
        %parallel_loop3A_160 = arith.index_cast %parallel_loop3A_119 : i32 to index
        %parallel_loop3A_161 = arith.constant 80 : index
        %parallel_loop3A_162 = tpu.vector_load %arg14[%parallel_loop3A_160, %parallel_loop3A_161] {strides = array<i32>} : memref<64x128xf32, #tpu.memory_space<vmem>>, vector<16xf32>,
        %parallel_loop3A_163 = arith.index_cast %parallel_loop3A_119 : i32 to index
        %parallel_loop3A_164 = arith.constant 96 : index
        %parallel_loop3A_165 = tpu.vector_load %arg14[%parallel_loop3A_163, %parallel_loop3A_164] {strides = array<i32>} : memref<64x128xf32, #tpu.memory_space<vmem>>, vector<16xf32>,
        %parallel_loop3A_166 = arith.index_cast %parallel_loop3A_119 : i32 to index
        %parallel_loop3A_167 = arith.constant 112 : index
        %parallel_loop3A_168 = tpu.vector_load %arg14[%parallel_loop3A_166, %parallel_loop3A_167] {strides = array<i32>} : memref<64x128xf32, #tpu.memory_space<vmem>>, vector<16xf32>,
        %parallel_loop3A_169 = arith.index_cast %parallel_loop3A_119 : i32 to index
        %parallel_loop3A_170 = arith.constant 0 : index
        %parallel_loop3A_171 = tpu.vector_load %arg15[%parallel_loop3A_169, %parallel_loop3A_170] {strides = array<i32>} : memref<64x128xf32, #tpu.memory_space<vmem>>, vector<16xf32>,
        %parallel_loop3A_172 = arith.index_cast %parallel_loop3A_119 : i32 to index
        %parallel_loop3A_173 = arith.constant 16 : index
        %parallel_loop3A_174 = tpu.vector_load %arg15[%parallel_loop3A_172, %parallel_loop3A_173] {strides = array<i32>} : memref<64x128xf32, #tpu.memory_space<vmem>>, vector<16xf32>,
        %parallel_loop3A_175 = arith.index_cast %parallel_loop3A_119 : i32 to index
        %parallel_loop3A_176 = arith.constant 32 : index
        %parallel_loop3A_177 = tpu.vector_load %arg15[%parallel_loop3A_175, %parallel_loop3A_176] {strides = array<i32>} : memref<64x128xf32, #tpu.memory_space<vmem>>, vector<16xf32>,
        %parallel_loop3A_178 = arith.index_cast %parallel_loop3A_119 : i32 to index
        %parallel_loop3A_179 = arith.constant 48 : index
        %parallel_loop3A_180 = tpu.vector_load %arg15[%parallel_loop3A_178, %parallel_loop3A_179] {strides = array<i32>} : memref<64x128xf32, #tpu.memory_space<vmem>>, vector<16xf32>,
        %parallel_loop3A_181 = arith.index_cast %parallel_loop3A_119 : i32 to index
        %parallel_loop3A_182 = arith.constant 64 : index
        %parallel_loop3A_183 = tpu.vector_load %arg15[%parallel_loop3A_181, %parallel_loop3A_182] {strides = array<i32>} : memref<64x128xf32, #tpu.memory_space<vmem>>, vector<16xf32>,
        %parallel_loop3A_184 = arith.index_cast %parallel_loop3A_119 : i32 to index
        %parallel_loop3A_185 = arith.constant 80 : index
        %parallel_loop3A_186 = tpu.vector_load %arg15[%parallel_loop3A_184, %parallel_loop3A_185] {strides = array<i32>} : memref<64x128xf32, #tpu.memory_space<vmem>>, vector<16xf32>,
        %parallel_loop3A_187 = arith.index_cast %parallel_loop3A_119 : i32 to index
        %parallel_loop3A_188 = arith.constant 96 : index
        %parallel_loop3A_189 = tpu.vector_load %arg15[%parallel_loop3A_187, %parallel_loop3A_188] {strides = array<i32>} : memref<64x128xf32, #tpu.memory_space<vmem>>, vector<16xf32>,
        %parallel_loop3A_190 = arith.index_cast %parallel_loop3A_119 : i32 to index
        %parallel_loop3A_191 = arith.constant 112 : index
        %parallel_loop3A_192 = tpu.vector_load %arg15[%parallel_loop3A_190, %parallel_loop3A_191] {strides = array<i32>} : memref<64x128xf32, #tpu.memory_space<vmem>>, vector<16xf32>,
        %parallel_loop3A_193 = arith.mulf %parallel_loop3A_123, %get3A_3 : vector<16xf32>
        %parallel_loop3A_194 = arith.mulf %parallel_loop3A_126, %get3A_5 : vector<16xf32>
        %parallel_loop3A_195 = arith.mulf %parallel_loop3A_129, %get3A_7 : vector<16xf32>
        %parallel_loop3A_196 = arith.mulf %parallel_loop3A_132, %get3A_9 : vector<16xf32>
        %parallel_loop3A_197 = arith.mulf %parallel_loop3A_135, %get3A_11 : vector<16xf32>
        %parallel_loop3A_198 = arith.mulf %parallel_loop3A_138, %get3A_13 : vector<16xf32>
        %parallel_loop3A_199 = arith.mulf %parallel_loop3A_141, %get3A_15 : vector<16xf32>
        %parallel_loop3A_200 = arith.mulf %parallel_loop3A_144, %get3A_17 : vector<16xf32>
        %parallel_loop3A_201 = arith.mulf %parallel_loop3A_193, %parallel_loop3A_147 : vector<16xf32>
        %parallel_loop3A_202 = arith.mulf %parallel_loop3A_193, %parallel_loop3A_171 : vector<16xf32>
        %parallel_loop3A_203 = arith.mulf %parallel_loop3A_194, %parallel_loop3A_150 : vector<16xf32>
        %parallel_loop3A_204 = arith.mulf %parallel_loop3A_194, %parallel_loop3A_174 : vector<16xf32>
        %parallel_loop3A_205 = arith.mulf %parallel_loop3A_195, %parallel_loop3A_153 : vector<16xf32>
        %parallel_loop3A_206 = arith.mulf %parallel_loop3A_195, %parallel_loop3A_177 : vector<16xf32>
        %parallel_loop3A_207 = arith.addf %parallel_loop3A_201, %parallel_loop3A_205 : vector<16xf32>
        %parallel_loop3A_208 = arith.addf %parallel_loop3A_202, %parallel_loop3A_206 : vector<16xf32>
        %parallel_loop3A_209 = arith.mulf %parallel_loop3A_196, %parallel_loop3A_156 : vector<16xf32>
        %parallel_loop3A_210 = arith.mulf %parallel_loop3A_196, %parallel_loop3A_180 : vector<16xf32>
        %parallel_loop3A_211 = arith.addf %parallel_loop3A_203, %parallel_loop3A_209 : vector<16xf32>
        %parallel_loop3A_212 = arith.addf %parallel_loop3A_204, %parallel_loop3A_210 : vector<16xf32>
        %parallel_loop3A_213 = arith.mulf %parallel_loop3A_197, %parallel_loop3A_159 : vector<16xf32>
        %parallel_loop3A_214 = arith.mulf %parallel_loop3A_197, %parallel_loop3A_183 : vector<16xf32>
        %parallel_loop3A_215 = arith.addf %parallel_loop3A_207, %parallel_loop3A_213 : vector<16xf32>
        %parallel_loop3A_216 = arith.addf %parallel_loop3A_208, %parallel_loop3A_214 : vector<16xf32>
        %parallel_loop3A_217 = arith.mulf %parallel_loop3A_198, %parallel_loop3A_162 : vector<16xf32>
        %parallel_loop3A_218 = arith.mulf %parallel_loop3A_198, %parallel_loop3A_186 : vector<16xf32>
        %parallel_loop3A_219 = arith.addf %parallel_loop3A_211, %parallel_loop3A_217 : vector<16xf32>
        %parallel_loop3A_220 = arith.addf %parallel_loop3A_212, %parallel_loop3A_218 : vector<16xf32>
        %parallel_loop3A_221 = arith.mulf %parallel_loop3A_199, %parallel_loop3A_165 : vector<16xf32>
        %parallel_loop3A_222 = arith.mulf %parallel_loop3A_199, %parallel_loop3A_189 : vector<16xf32>
        %parallel_loop3A_223 = arith.addf %parallel_loop3A_215, %parallel_loop3A_221 : vector<16xf32>
        %parallel_loop3A_224 = arith.addf %parallel_loop3A_216, %parallel_loop3A_222 : vector<16xf32>
        %parallel_loop3A_225 = arith.mulf %parallel_loop3A_200, %parallel_loop3A_168 : vector<16xf32>
        %parallel_loop3A_226 = arith.mulf %parallel_loop3A_200, %parallel_loop3A_192 : vector<16xf32>
        %parallel_loop3A_227 = arith.addf %parallel_loop3A_219, %parallel_loop3A_225 : vector<16xf32>
        %parallel_loop3A_228 = arith.addf %parallel_loop3A_220, %parallel_loop3A_226 : vector<16xf32>
        %parallel_loop3A_229 = arith.addf %parallel_loop3A_223, %parallel_loop3A_227 : vector<16xf32>
        %parallel_loop3A_230 = arith.constant true
        %parallel_loop3A_231 = vector.broadcast %parallel_loop3A_230 : i1 to vector<16xi1>
        %parallel_loop3A_232 = tpu.scan <sum>, %parallel_loop3A_229 masked %parallel_loop3A_231 : vector<16xf32>, vector<16xi1> -> vector<16xf32>
        %parallel_loop3A_233 = arith.addf %parallel_loop3A_224, %parallel_loop3A_228 : vector<16xf32>
        %parallel_loop3A_234 = arith.constant true
        %parallel_loop3A_235 = vector.broadcast %parallel_loop3A_234 : i1 to vector<16xi1>
        %parallel_loop3A_236 = tpu.scan <sum>, %parallel_loop3A_233 masked %parallel_loop3A_235 : vector<16xf32>, vector<16xi1> -> vector<16xf32>
        %parallel_loop3A_237 = arith.constant 0.000000e+00 : f32
        %parallel_loop3A_238 = vector.broadcast %parallel_loop3A_237 : f32 to vector<16xf32>
        %parallel_loop3A_239 = arith.maximumf %parallel_loop3A_232, %parallel_loop3A_238 : vector<16xf32>
        tpu.vector_store_idx %arg20[%parallel_loop3A_120], %parallel_loop3A_239 masked %eq3A_19 : memref<512xf32, #tpu.memory_space<vmem>>[vector<16xi32>], vector<16xf32>, vector<16xi1>
        %parallel_loop3A_240 = arith.constant 0.000000e+00 : f32
        %parallel_loop3A_241 = vector.broadcast %parallel_loop3A_240 : f32 to vector<16xf32>
        %parallel_loop3A_242 = arith.maximumf %parallel_loop3A_236, %parallel_loop3A_241 : vector<16xf32>
        tpu.vector_store_idx %arg21[%parallel_loop3A_120], %parallel_loop3A_242 masked %eq3A_19 : memref<512xf32, #tpu.memory_space<vmem>>[vector<16xi32>], vector<16xf32>, vector<16xi1>
        %parallel_loop3A_243 = arith.constant 1 : i32
        %parallel_loop3A_244 = vector.broadcast %parallel_loop3A_243 : i32 to vector<16xi32>
        %parallel_loop3A_245 = arith.addi %parallel_loop3A_120, %parallel_loop3A_244 : vector<16xi32>
        scf.yield %parallel_loop3A_245 : vector<16xi32>
      } {sc.loop_unroll_factor = 2 : i64, sc.parallel_access}
      %add3A_81 = arith.constant 2 : i32
      %add3A_82 = arith.addi %add3A_58, %add3A_81 : i32
      %lt3A = arith.constant 8 : i32
      %lt3A_83 = arith.cmpi slt, %add3A_82, %lt3A : i32
      %convert_element_type3A = arith.extui %lt3A_83 : i1 to i32
      %cond3A = arith.constant 0 : i32
      %cond3A_84 = arith.cmpi ne, %convert_element_type3A, %cond3A : i32
      scf.if %cond3A_84 {
        %add3A_119 = arith.constant 2 : i32
        %add3A_120 = arith.addi %add3A_58, %add3A_119 : i32
        %mul3A_121 = arith.constant 64 : i32
        %mul3A_122 = arith.muli %add3A_120, %mul3A_121 : i32
        %dma_start3A_123 = tpu.memref_slice %arg10[%mul3A_122] : memref<512xi32, #tpu.memory_space<vmem>> -> memref<64xi32, #tpu.memory_space<vmem>>
        %dma_start3A_124 = arith.constant 0 : i32
        %dma_start3A_125 = arith.constant 0 : i32
        %dma_start3A_126 = tpu.memref_slice %arg5[%dma_start3A_124, %dma_start3A_125] : memref<100000x128xf32, #tpu.memory_space<hbm>> -> memref<100000x128xf32, #tpu.memory_space<hbm>>
        tpu.enqueue_indirect_dma source(%dma_start3A_126 : memref<100000x128xf32, #tpu.memory_space<hbm>>) target(%arg13 : memref<64x128xf32, #tpu.memory_space<vmem>>) offsets(%dma_start3A_123 : memref<64xi32, #tpu.memory_space<vmem>>) semaphore(%arg22 : memref<!tpu.dma_semaphore, #tpu.memory_space<semaphore_mem>>)
        %dma_start3A_127 = tpu.memref_slice %arg11[%mul3A_122] : memref<512xi32, #tpu.memory_space<vmem>> -> memref<64xi32, #tpu.memory_space<vmem>>
        %dma_start3A_128 = arith.constant 0 : i32
        %dma_start3A_129 = arith.constant 0 : i32
        %dma_start3A_130 = tpu.memref_slice %arg6[%dma_start3A_128, %dma_start3A_129] : memref<100000x128xf32, #tpu.memory_space<hbm>> -> memref<100000x128xf32, #tpu.memory_space<hbm>>
        tpu.enqueue_indirect_dma source(%dma_start3A_130 : memref<100000x128xf32, #tpu.memory_space<hbm>>) target(%arg14 : memref<64x128xf32, #tpu.memory_space<vmem>>) offsets(%dma_start3A_127 : memref<64xi32, #tpu.memory_space<vmem>>) semaphore(%arg22 : memref<!tpu.dma_semaphore, #tpu.memory_space<semaphore_mem>>)
        %dma_start3A_131 = tpu.memref_slice %arg12[%mul3A_122] : memref<512xi32, #tpu.memory_space<vmem>> -> memref<64xi32, #tpu.memory_space<vmem>>
        %dma_start3A_132 = arith.constant 0 : i32
        %dma_start3A_133 = arith.constant 0 : i32
        %dma_start3A_134 = tpu.memref_slice %arg6[%dma_start3A_132, %dma_start3A_133] : memref<100000x128xf32, #tpu.memory_space<hbm>> -> memref<100000x128xf32, #tpu.memory_space<hbm>>
        tpu.enqueue_indirect_dma source(%dma_start3A_134 : memref<100000x128xf32, #tpu.memory_space<hbm>>) target(%arg15 : memref<64x128xf32, #tpu.memory_space<vmem>>) offsets(%dma_start3A_131 : memref<64xi32, #tpu.memory_space<vmem>>) semaphore(%arg22 : memref<!tpu.dma_semaphore, #tpu.memory_space<semaphore_mem>>)
      } else {
      }
      %add3A_85 = arith.constant 1 : i32
      %add3A_86 = arith.addi %mul3A_56, %add3A_85 : i32
      %dma_wait3A_87 = arith.constant 0 : i32
      %dma_wait3A_88 = arith.constant 0 : i32
      %dma_wait3A_89 = tpu.memref_slice %arg5[%dma_wait3A_87, %dma_wait3A_88] : memref<100000x128xf32, #tpu.memory_space<hbm>> -> memref<64x128xf32, #tpu.memory_space<hbm>>
      %dma_wait3A_90 = arith.constant 0 : i32
      %dma_wait3A_91 = arith.constant 0 : i32
      %dma_wait3A_92 = tpu.memref_slice %arg5[%dma_wait3A_90, %dma_wait3A_91] : memref<100000x128xf32, #tpu.memory_space<hbm>> -> memref<64x128xf32, #tpu.memory_space<hbm>>
      tpu.wait_dma2 semaphore(%arg23 : memref<!tpu.dma_semaphore, #tpu.memory_space<semaphore_mem>>) src(%dma_wait3A_92 : memref<64x128xf32, #tpu.memory_space<hbm>>) dst(%arg16 : memref<64x128xf32, #tpu.memory_space<vmem>>)
      %dma_wait3A_93 = arith.constant 0 : i32
      %dma_wait3A_94 = arith.constant 0 : i32
      %dma_wait3A_95 = tpu.memref_slice %arg5[%dma_wait3A_93, %dma_wait3A_94] : memref<100000x128xf32, #tpu.memory_space<hbm>> -> memref<64x128xf32, #tpu.memory_space<hbm>>
      %dma_wait3A_96 = arith.constant 0 : i32
      %dma_wait3A_97 = arith.constant 0 : i32
      %dma_wait3A_98 = tpu.memref_slice %arg5[%dma_wait3A_96, %dma_wait3A_97] : memref<100000x128xf32, #tpu.memory_space<hbm>> -> memref<64x128xf32, #tpu.memory_space<hbm>>
      tpu.wait_dma2 semaphore(%arg23 : memref<!tpu.dma_semaphore, #tpu.memory_space<semaphore_mem>>) src(%dma_wait3A_98 : memref<64x128xf32, #tpu.memory_space<hbm>>) dst(%arg17 : memref<64x128xf32, #tpu.memory_space<vmem>>)
      %dma_wait3A_99 = arith.constant 0 : i32
      %dma_wait3A_100 = arith.constant 0 : i32
      %dma_wait3A_101 = tpu.memref_slice %arg5[%dma_wait3A_99, %dma_wait3A_100] : memref<100000x128xf32, #tpu.memory_space<hbm>> -> memref<64x128xf32, #tpu.memory_space<hbm>>
      %dma_wait3A_102 = arith.constant 0 : i32
      %dma_wait3A_103 = arith.constant 0 : i32
      %dma_wait3A_104 = tpu.memref_slice %arg5[%dma_wait3A_102, %dma_wait3A_103] : memref<100000x128xf32, #tpu.memory_space<hbm>> -> memref<64x128xf32, #tpu.memory_space<hbm>>
      tpu.wait_dma2 semaphore(%arg23 : memref<!tpu.dma_semaphore, #tpu.memory_space<semaphore_mem>>) src(%dma_wait3A_104 : memref<64x128xf32, #tpu.memory_space<hbm>>) dst(%arg18 : memref<64x128xf32, #tpu.memory_space<vmem>>)
      %mul3A_105 = arith.constant 64 : i32
      %mul3A_106 = arith.muli %add3A_86, %mul3A_105 : i32
      %broadcast_in_dim3A_107 = vector.broadcast %mul3A_106 : i32 to vector<16xi32>
      %parallel_loop3A_108 = arith.constant 0 : i32
      %parallel_loop3A_109 = arith.constant 64 : i32
      %parallel_loop3A_110 = arith.constant 1 : i32
      %parallel_loop3A_111 = scf.for %parallel_loop3A_119 = %parallel_loop3A_108 to %parallel_loop3A_109 step %parallel_loop3A_110 iter_args(%parallel_loop3A_120 = %broadcast_in_dim3A_107) -> (vector<16xi32>)  : i32 {
        %parallel_loop3A_121 = arith.index_cast %parallel_loop3A_119 : i32 to index
        %parallel_loop3A_122 = arith.constant 0 : index
        %parallel_loop3A_123 = tpu.vector_load %arg16[%parallel_loop3A_121, %parallel_loop3A_122] {strides = array<i32>} : memref<64x128xf32, #tpu.memory_space<vmem>>, vector<16xf32>,
        %parallel_loop3A_124 = arith.index_cast %parallel_loop3A_119 : i32 to index
        %parallel_loop3A_125 = arith.constant 16 : index
        %parallel_loop3A_126 = tpu.vector_load %arg16[%parallel_loop3A_124, %parallel_loop3A_125] {strides = array<i32>} : memref<64x128xf32, #tpu.memory_space<vmem>>, vector<16xf32>,
        %parallel_loop3A_127 = arith.index_cast %parallel_loop3A_119 : i32 to index
        %parallel_loop3A_128 = arith.constant 32 : index
        %parallel_loop3A_129 = tpu.vector_load %arg16[%parallel_loop3A_127, %parallel_loop3A_128] {strides = array<i32>} : memref<64x128xf32, #tpu.memory_space<vmem>>, vector<16xf32>,
        %parallel_loop3A_130 = arith.index_cast %parallel_loop3A_119 : i32 to index
        %parallel_loop3A_131 = arith.constant 48 : index
        %parallel_loop3A_132 = tpu.vector_load %arg16[%parallel_loop3A_130, %parallel_loop3A_131] {strides = array<i32>} : memref<64x128xf32, #tpu.memory_space<vmem>>, vector<16xf32>,
        %parallel_loop3A_133 = arith.index_cast %parallel_loop3A_119 : i32 to index
        %parallel_loop3A_134 = arith.constant 64 : index
        %parallel_loop3A_135 = tpu.vector_load %arg16[%parallel_loop3A_133, %parallel_loop3A_134] {strides = array<i32>} : memref<64x128xf32, #tpu.memory_space<vmem>>, vector<16xf32>,
        %parallel_loop3A_136 = arith.index_cast %parallel_loop3A_119 : i32 to index
        %parallel_loop3A_137 = arith.constant 80 : index
        %parallel_loop3A_138 = tpu.vector_load %arg16[%parallel_loop3A_136, %parallel_loop3A_137] {strides = array<i32>} : memref<64x128xf32, #tpu.memory_space<vmem>>, vector<16xf32>,
        %parallel_loop3A_139 = arith.index_cast %parallel_loop3A_119 : i32 to index
        %parallel_loop3A_140 = arith.constant 96 : index
        %parallel_loop3A_141 = tpu.vector_load %arg16[%parallel_loop3A_139, %parallel_loop3A_140] {strides = array<i32>} : memref<64x128xf32, #tpu.memory_space<vmem>>, vector<16xf32>,
        %parallel_loop3A_142 = arith.index_cast %parallel_loop3A_119 : i32 to index
        %parallel_loop3A_143 = arith.constant 112 : index
        %parallel_loop3A_144 = tpu.vector_load %arg16[%parallel_loop3A_142, %parallel_loop3A_143] {strides = array<i32>} : memref<64x128xf32, #tpu.memory_space<vmem>>, vector<16xf32>,
        %parallel_loop3A_145 = arith.index_cast %parallel_loop3A_119 : i32 to index
        %parallel_loop3A_146 = arith.constant 0 : index
        %parallel_loop3A_147 = tpu.vector_load %arg17[%parallel_loop3A_145, %parallel_loop3A_146] {strides = array<i32>} : memref<64x128xf32, #tpu.memory_space<vmem>>, vector<16xf32>,
        %parallel_loop3A_148 = arith.index_cast %parallel_loop3A_119 : i32 to index
        %parallel_loop3A_149 = arith.constant 16 : index
        %parallel_loop3A_150 = tpu.vector_load %arg17[%parallel_loop3A_148, %parallel_loop3A_149] {strides = array<i32>} : memref<64x128xf32, #tpu.memory_space<vmem>>, vector<16xf32>,
        %parallel_loop3A_151 = arith.index_cast %parallel_loop3A_119 : i32 to index
        %parallel_loop3A_152 = arith.constant 32 : index
        %parallel_loop3A_153 = tpu.vector_load %arg17[%parallel_loop3A_151, %parallel_loop3A_152] {strides = array<i32>} : memref<64x128xf32, #tpu.memory_space<vmem>>, vector<16xf32>,
        %parallel_loop3A_154 = arith.index_cast %parallel_loop3A_119 : i32 to index
        %parallel_loop3A_155 = arith.constant 48 : index
        %parallel_loop3A_156 = tpu.vector_load %arg17[%parallel_loop3A_154, %parallel_loop3A_155] {strides = array<i32>} : memref<64x128xf32, #tpu.memory_space<vmem>>, vector<16xf32>,
        %parallel_loop3A_157 = arith.index_cast %parallel_loop3A_119 : i32 to index
        %parallel_loop3A_158 = arith.constant 64 : index
        %parallel_loop3A_159 = tpu.vector_load %arg17[%parallel_loop3A_157, %parallel_loop3A_158] {strides = array<i32>} : memref<64x128xf32, #tpu.memory_space<vmem>>, vector<16xf32>,
        %parallel_loop3A_160 = arith.index_cast %parallel_loop3A_119 : i32 to index
        %parallel_loop3A_161 = arith.constant 80 : index
        %parallel_loop3A_162 = tpu.vector_load %arg17[%parallel_loop3A_160, %parallel_loop3A_161] {strides = array<i32>} : memref<64x128xf32, #tpu.memory_space<vmem>>, vector<16xf32>,
        %parallel_loop3A_163 = arith.index_cast %parallel_loop3A_119 : i32 to index
        %parallel_loop3A_164 = arith.constant 96 : index
        %parallel_loop3A_165 = tpu.vector_load %arg17[%parallel_loop3A_163, %parallel_loop3A_164] {strides = array<i32>} : memref<64x128xf32, #tpu.memory_space<vmem>>, vector<16xf32>,
        %parallel_loop3A_166 = arith.index_cast %parallel_loop3A_119 : i32 to index
        %parallel_loop3A_167 = arith.constant 112 : index
        %parallel_loop3A_168 = tpu.vector_load %arg17[%parallel_loop3A_166, %parallel_loop3A_167] {strides = array<i32>} : memref<64x128xf32, #tpu.memory_space<vmem>>, vector<16xf32>,
        %parallel_loop3A_169 = arith.index_cast %parallel_loop3A_119 : i32 to index
        %parallel_loop3A_170 = arith.constant 0 : index
        %parallel_loop3A_171 = tpu.vector_load %arg18[%parallel_loop3A_169, %parallel_loop3A_170] {strides = array<i32>} : memref<64x128xf32, #tpu.memory_space<vmem>>, vector<16xf32>,
        %parallel_loop3A_172 = arith.index_cast %parallel_loop3A_119 : i32 to index
        %parallel_loop3A_173 = arith.constant 16 : index
        %parallel_loop3A_174 = tpu.vector_load %arg18[%parallel_loop3A_172, %parallel_loop3A_173] {strides = array<i32>} : memref<64x128xf32, #tpu.memory_space<vmem>>, vector<16xf32>,
        %parallel_loop3A_175 = arith.index_cast %parallel_loop3A_119 : i32 to index
        %parallel_loop3A_176 = arith.constant 32 : index
        %parallel_loop3A_177 = tpu.vector_load %arg18[%parallel_loop3A_175, %parallel_loop3A_176] {strides = array<i32>} : memref<64x128xf32, #tpu.memory_space<vmem>>, vector<16xf32>,
        %parallel_loop3A_178 = arith.index_cast %parallel_loop3A_119 : i32 to index
        %parallel_loop3A_179 = arith.constant 48 : index
        %parallel_loop3A_180 = tpu.vector_load %arg18[%parallel_loop3A_178, %parallel_loop3A_179] {strides = array<i32>} : memref<64x128xf32, #tpu.memory_space<vmem>>, vector<16xf32>,
        %parallel_loop3A_181 = arith.index_cast %parallel_loop3A_119 : i32 to index
        %parallel_loop3A_182 = arith.constant 64 : index
        %parallel_loop3A_183 = tpu.vector_load %arg18[%parallel_loop3A_181, %parallel_loop3A_182] {strides = array<i32>} : memref<64x128xf32, #tpu.memory_space<vmem>>, vector<16xf32>,
        %parallel_loop3A_184 = arith.index_cast %parallel_loop3A_119 : i32 to index
        %parallel_loop3A_185 = arith.constant 80 : index
        %parallel_loop3A_186 = tpu.vector_load %arg18[%parallel_loop3A_184, %parallel_loop3A_185] {strides = array<i32>} : memref<64x128xf32, #tpu.memory_space<vmem>>, vector<16xf32>,
        %parallel_loop3A_187 = arith.index_cast %parallel_loop3A_119 : i32 to index
        %parallel_loop3A_188 = arith.constant 96 : index
        %parallel_loop3A_189 = tpu.vector_load %arg18[%parallel_loop3A_187, %parallel_loop3A_188] {strides = array<i32>} : memref<64x128xf32, #tpu.memory_space<vmem>>, vector<16xf32>,
        %parallel_loop3A_190 = arith.index_cast %parallel_loop3A_119 : i32 to index
        %parallel_loop3A_191 = arith.constant 112 : index
        %parallel_loop3A_192 = tpu.vector_load %arg18[%parallel_loop3A_190, %parallel_loop3A_191] {strides = array<i32>} : memref<64x128xf32, #tpu.memory_space<vmem>>, vector<16xf32>,
        %parallel_loop3A_193 = arith.mulf %parallel_loop3A_123, %get3A_3 : vector<16xf32>
        %parallel_loop3A_194 = arith.mulf %parallel_loop3A_126, %get3A_5 : vector<16xf32>
        %parallel_loop3A_195 = arith.mulf %parallel_loop3A_129, %get3A_7 : vector<16xf32>
        %parallel_loop3A_196 = arith.mulf %parallel_loop3A_132, %get3A_9 : vector<16xf32>
        %parallel_loop3A_197 = arith.mulf %parallel_loop3A_135, %get3A_11 : vector<16xf32>
        %parallel_loop3A_198 = arith.mulf %parallel_loop3A_138, %get3A_13 : vector<16xf32>
        %parallel_loop3A_199 = arith.mulf %parallel_loop3A_141, %get3A_15 : vector<16xf32>
        %parallel_loop3A_200 = arith.mulf %parallel_loop3A_144, %get3A_17 : vector<16xf32>
        %parallel_loop3A_201 = arith.mulf %parallel_loop3A_193, %parallel_loop3A_147 : vector<16xf32>
        %parallel_loop3A_202 = arith.mulf %parallel_loop3A_193, %parallel_loop3A_171 : vector<16xf32>
        %parallel_loop3A_203 = arith.mulf %parallel_loop3A_194, %parallel_loop3A_150 : vector<16xf32>
        %parallel_loop3A_204 = arith.mulf %parallel_loop3A_194, %parallel_loop3A_174 : vector<16xf32>
        %parallel_loop3A_205 = arith.mulf %parallel_loop3A_195, %parallel_loop3A_153 : vector<16xf32>
        %parallel_loop3A_206 = arith.mulf %parallel_loop3A_195, %parallel_loop3A_177 : vector<16xf32>
        %parallel_loop3A_207 = arith.addf %parallel_loop3A_201, %parallel_loop3A_205 : vector<16xf32>
        %parallel_loop3A_208 = arith.addf %parallel_loop3A_202, %parallel_loop3A_206 : vector<16xf32>
        %parallel_loop3A_209 = arith.mulf %parallel_loop3A_196, %parallel_loop3A_156 : vector<16xf32>
        %parallel_loop3A_210 = arith.mulf %parallel_loop3A_196, %parallel_loop3A_180 : vector<16xf32>
        %parallel_loop3A_211 = arith.addf %parallel_loop3A_203, %parallel_loop3A_209 : vector<16xf32>
        %parallel_loop3A_212 = arith.addf %parallel_loop3A_204, %parallel_loop3A_210 : vector<16xf32>
        %parallel_loop3A_213 = arith.mulf %parallel_loop3A_197, %parallel_loop3A_159 : vector<16xf32>
        %parallel_loop3A_214 = arith.mulf %parallel_loop3A_197, %parallel_loop3A_183 : vector<16xf32>
        %parallel_loop3A_215 = arith.addf %parallel_loop3A_207, %parallel_loop3A_213 : vector<16xf32>
        %parallel_loop3A_216 = arith.addf %parallel_loop3A_208, %parallel_loop3A_214 : vector<16xf32>
        %parallel_loop3A_217 = arith.mulf %parallel_loop3A_198, %parallel_loop3A_162 : vector<16xf32>
        %parallel_loop3A_218 = arith.mulf %parallel_loop3A_198, %parallel_loop3A_186 : vector<16xf32>
        %parallel_loop3A_219 = arith.addf %parallel_loop3A_211, %parallel_loop3A_217 : vector<16xf32>
        %parallel_loop3A_220 = arith.addf %parallel_loop3A_212, %parallel_loop3A_218 : vector<16xf32>
        %parallel_loop3A_221 = arith.mulf %parallel_loop3A_199, %parallel_loop3A_165 : vector<16xf32>
        %parallel_loop3A_222 = arith.mulf %parallel_loop3A_199, %parallel_loop3A_189 : vector<16xf32>
        %parallel_loop3A_223 = arith.addf %parallel_loop3A_215, %parallel_loop3A_221 : vector<16xf32>
        %parallel_loop3A_224 = arith.addf %parallel_loop3A_216, %parallel_loop3A_222 : vector<16xf32>
        %parallel_loop3A_225 = arith.mulf %parallel_loop3A_200, %parallel_loop3A_168 : vector<16xf32>
        %parallel_loop3A_226 = arith.mulf %parallel_loop3A_200, %parallel_loop3A_192 : vector<16xf32>
        %parallel_loop3A_227 = arith.addf %parallel_loop3A_219, %parallel_loop3A_225 : vector<16xf32>
        %parallel_loop3A_228 = arith.addf %parallel_loop3A_220, %parallel_loop3A_226 : vector<16xf32>
        %parallel_loop3A_229 = arith.addf %parallel_loop3A_223, %parallel_loop3A_227 : vector<16xf32>
        %parallel_loop3A_230 = arith.constant true
        %parallel_loop3A_231 = vector.broadcast %parallel_loop3A_230 : i1 to vector<16xi1>
        %parallel_loop3A_232 = tpu.scan <sum>, %parallel_loop3A_229 masked %parallel_loop3A_231 : vector<16xf32>, vector<16xi1> -> vector<16xf32>
        %parallel_loop3A_233 = arith.addf %parallel_loop3A_224, %parallel_loop3A_228 : vector<16xf32>
        %parallel_loop3A_234 = arith.constant true
        %parallel_loop3A_235 = vector.broadcast %parallel_loop3A_234 : i1 to vector<16xi1>
        %parallel_loop3A_236 = tpu.scan <sum>, %parallel_loop3A_233 masked %parallel_loop3A_235 : vector<16xf32>, vector<16xi1> -> vector<16xf32>
        %parallel_loop3A_237 = arith.constant 0.000000e+00 : f32
        %parallel_loop3A_238 = vector.broadcast %parallel_loop3A_237 : f32 to vector<16xf32>
        %parallel_loop3A_239 = arith.maximumf %parallel_loop3A_232, %parallel_loop3A_238 : vector<16xf32>
        tpu.vector_store_idx %arg20[%parallel_loop3A_120], %parallel_loop3A_239 masked %eq3A_19 : memref<512xf32, #tpu.memory_space<vmem>>[vector<16xi32>], vector<16xf32>, vector<16xi1>
        %parallel_loop3A_240 = arith.constant 0.000000e+00 : f32
        %parallel_loop3A_241 = vector.broadcast %parallel_loop3A_240 : f32 to vector<16xf32>
        %parallel_loop3A_242 = arith.maximumf %parallel_loop3A_236, %parallel_loop3A_241 : vector<16xf32>
        tpu.vector_store_idx %arg21[%parallel_loop3A_120], %parallel_loop3A_242 masked %eq3A_19 : memref<512xf32, #tpu.memory_space<vmem>>[vector<16xi32>], vector<16xf32>, vector<16xi1>
        %parallel_loop3A_243 = arith.constant 1 : i32
        %parallel_loop3A_244 = vector.broadcast %parallel_loop3A_243 : i32 to vector<16xi32>
        %parallel_loop3A_245 = arith.addi %parallel_loop3A_120, %parallel_loop3A_244 : vector<16xi32>
        scf.yield %parallel_loop3A_245 : vector<16xi32>
      } {sc.loop_unroll_factor = 2 : i64, sc.parallel_access}
      %add3A_112 = arith.constant 2 : i32
      %add3A_113 = arith.addi %add3A_86, %add3A_112 : i32
      %lt3A_114 = arith.constant 8 : i32
      %lt3A_115 = arith.cmpi slt, %add3A_113, %lt3A_114 : i32
      %convert_element_type3A_116 = arith.extui %lt3A_115 : i1 to i32
      %cond3A_117 = arith.constant 0 : i32
      %cond3A_118 = arith.cmpi ne, %convert_element_type3A_116, %cond3A_117 : i32
      scf.if %cond3A_118 {
        %add3A_119 = arith.constant 2 : i32
        %add3A_120 = arith.addi %add3A_86, %add3A_119 : i32
        %mul3A_121 = arith.constant 64 : i32
        %mul3A_122 = arith.muli %add3A_120, %mul3A_121 : i32
        %dma_start3A_123 = tpu.memref_slice %arg10[%mul3A_122] : memref<512xi32, #tpu.memory_space<vmem>> -> memref<64xi32, #tpu.memory_space<vmem>>
        %dma_start3A_124 = arith.constant 0 : i32
        %dma_start3A_125 = arith.constant 0 : i32
        %dma_start3A_126 = tpu.memref_slice %arg5[%dma_start3A_124, %dma_start3A_125] : memref<100000x128xf32, #tpu.memory_space<hbm>> -> memref<100000x128xf32, #tpu.memory_space<hbm>>
        tpu.enqueue_indirect_dma source(%dma_start3A_126 : memref<100000x128xf32, #tpu.memory_space<hbm>>) target(%arg16 : memref<64x128xf32, #tpu.memory_space<vmem>>) offsets(%dma_start3A_123 : memref<64xi32, #tpu.memory_space<vmem>>) semaphore(%arg23 : memref<!tpu.dma_semaphore, #tpu.memory_space<semaphore_mem>>)
        %dma_start3A_127 = tpu.memref_slice %arg11[%mul3A_122] : memref<512xi32, #tpu.memory_space<vmem>> -> memref<64xi32, #tpu.memory_space<vmem>>
        %dma_start3A_128 = arith.constant 0 : i32
        %dma_start3A_129 = arith.constant 0 : i32
        %dma_start3A_130 = tpu.memref_slice %arg6[%dma_start3A_128, %dma_start3A_129] : memref<100000x128xf32, #tpu.memory_space<hbm>> -> memref<100000x128xf32, #tpu.memory_space<hbm>>
        tpu.enqueue_indirect_dma source(%dma_start3A_130 : memref<100000x128xf32, #tpu.memory_space<hbm>>) target(%arg17 : memref<64x128xf32, #tpu.memory_space<vmem>>) offsets(%dma_start3A_127 : memref<64xi32, #tpu.memory_space<vmem>>) semaphore(%arg23 : memref<!tpu.dma_semaphore, #tpu.memory_space<semaphore_mem>>)
        %dma_start3A_131 = tpu.memref_slice %arg12[%mul3A_122] : memref<512xi32, #tpu.memory_space<vmem>> -> memref<64xi32, #tpu.memory_space<vmem>>
        %dma_start3A_132 = arith.constant 0 : i32
        %dma_start3A_133 = arith.constant 0 : i32
        %dma_start3A_134 = tpu.memref_slice %arg6[%dma_start3A_132, %dma_start3A_133] : memref<100000x128xf32, #tpu.memory_space<hbm>> -> memref<100000x128xf32, #tpu.memory_space<hbm>>
        tpu.enqueue_indirect_dma source(%dma_start3A_134 : memref<100000x128xf32, #tpu.memory_space<hbm>>) target(%arg18 : memref<64x128xf32, #tpu.memory_space<vmem>>) offsets(%dma_start3A_131 : memref<64xi32, #tpu.memory_space<vmem>>) semaphore(%arg23 : memref<!tpu.dma_semaphore, #tpu.memory_space<semaphore_mem>>)
      } else {
      }
    }
    %scan3A_53 = arith.constant 4 : i32
    "tpu.region"() ({
      %run_scoped3A_54 = tpu.sem_alloc : memref<!tpu.dma_semaphore, #tpu.memory_space<semaphore_mem>>
      %dma_start3A_55 = tpu.memref_slice %arg8[%mul3A_2] : memref<16384xf32, #tpu.memory_space<hbm>> -> memref<512xf32, #tpu.memory_space<hbm>>
      %dma_start3A_56 = tpu.memref_slice %arg8[%mul3A_2] : memref<16384xf32, #tpu.memory_space<hbm>> -> memref<512xf32, #tpu.memory_space<hbm>>
      tpu.enqueue_dma source(%arg20 : memref<512xf32, #tpu.memory_space<vmem>>) target(%dma_start3A_56 : memref<512xf32, #tpu.memory_space<hbm>>) target_semaphore(%run_scoped3A_54 : memref<!tpu.dma_semaphore, #tpu.memory_space<semaphore_mem>>)
      %dma_wait3A = tpu.memref_slice %arg8[%mul3A_2] : memref<16384xf32, #tpu.memory_space<hbm>> -> memref<512xf32, #tpu.memory_space<hbm>>
      %dma_wait3A_57 = tpu.memref_slice %arg8[%mul3A_2] : memref<16384xf32, #tpu.memory_space<hbm>> -> memref<512xf32, #tpu.memory_space<hbm>>
      tpu.wait_dma2 semaphore(%run_scoped3A_54 : memref<!tpu.dma_semaphore, #tpu.memory_space<semaphore_mem>>) src(%arg20 : memref<512xf32, #tpu.memory_space<vmem>>) dst(%dma_wait3A_57 : memref<512xf32, #tpu.memory_space<hbm>>)
      tpu.yield
    }) : () -> ()
    "tpu.region"() ({
      %run_scoped3A_54 = tpu.sem_alloc : memref<!tpu.dma_semaphore, #tpu.memory_space<semaphore_mem>>
      %dma_start3A_55 = tpu.memref_slice %arg9[%mul3A_2] : memref<16384xf32, #tpu.memory_space<hbm>> -> memref<512xf32, #tpu.memory_space<hbm>>
      %dma_start3A_56 = tpu.memref_slice %arg9[%mul3A_2] : memref<16384xf32, #tpu.memory_space<hbm>> -> memref<512xf32, #tpu.memory_space<hbm>>
      tpu.enqueue_dma source(%arg21 : memref<512xf32, #tpu.memory_space<vmem>>) target(%dma_start3A_56 : memref<512xf32, #tpu.memory_space<hbm>>) target_semaphore(%run_scoped3A_54 : memref<!tpu.dma_semaphore, #tpu.memory_space<semaphore_mem>>)
      %dma_wait3A = tpu.memref_slice %arg9[%mul3A_2] : memref<16384xf32, #tpu.memory_space<hbm>> -> memref<512xf32, #tpu.memory_space<hbm>>
      %dma_wait3A_57 = tpu.memref_slice %arg9[%mul3A_2] : memref<16384xf32, #tpu.memory_space<hbm>> -> memref<512xf32, #tpu.memory_space<hbm>>
      tpu.wait_dma2 semaphore(%run_scoped3A_54 : memref<!tpu.dma_semaphore, #tpu.memory_space<semaphore_mem>>) src(%arg21 : memref<512xf32, #tpu.memory_space<vmem>>) dst(%dma_wait3A_57 : memref<512xf32, #tpu.memory_space<hbm>>)
      tpu.yield
    }) : () -> ()
    return
  }
}

</mosaic_0001>

<sc_bundles>
// kernel: _run.3.cloned.1.call-start
scs
__scs_entry_jumppad:
0x0: {  	(pc) =	sbr.rel $0x88, $3  }
0x1: {  	(tag) =	ssettag $0x0;
	lr =	simm.s32 $0x1  }
0x2: {  	[smem:$0x3F9B] =	sst lr;
	_ =	strace $0xD0000000  }
0x3: {  	_ = 	snop  }
0x4: {  	_ = 	snop  }
0x5: {  	_ = 	snop  }
0x6: {  	_ = 	snop  }
0x7: {  	_ = 	snop  }
__scs_overlays_trampoline_lowered:
0x8: {  	[smem:$0x3FAA] =	sst s0  }
0x9: {  	[smem:$0x3FAB] =	sst s1  }
0xa: {  	[smem:$0x3FAC] =	sst s2  }
0xb: {  	[smem:$0x3FAD] =	sst s3  }
0xc: {  	[smem:$0x3FAE] =	sst s4  }
0xd: {  	[smem:$0x3FAF] =	sst s5  }
0xe: {  	[smem:$0x3FB0] =	sst s6  }
0xf: {  	[smem:$0x3FB1] =	sst s7  }
0x10: {  	[smem:$0x3FB2] =	sst s8  }
0x11: {  	[smem:$0x3FB3] =	sst s9;
	s0 =	simm.s32 @!p0 $0x0  }
0x12: {  	s1 =	sld [smem:$0x3F99];
	s0 =	simm.s32 @p0 $0x1  }
0x13: {  	[smem:$0x3FB4] =	sst s0;
	s0 =	simm.s32 @!p1 $0x0  }
0x14: {  	s2 =	sld [smem:$0x3F98];
	s0 =	simm.s32 @p1 $0x1  }
0x15: {  	[smem:$0x3FB5] =	sst s0;
	s0 =	simm.s32 @!p2 $0x0  }
0x16: {  	s3 =	sld [smem:$0x3FDB];
	s0 =	simm.s32 @p2 $0x1  }
0x17: {  	s4 =	simm.s32 $0x1BF5;
	[smem:$0x3FB7] =	sst s0  }
0x18: {  	s0 =	sld [smem:$0x3F9A];
	_ =	swait.ge [sflag:s4], $0x0  }
0x19: {  	s7 =	sld [smem:$0x3F9B]  }
0x1a: {  	s8 =	sadd.s32 $0xFFFFE003, lr  }
0x1b: {  	s9 =	sadd.s32 $0xFFFFFEF7, lr;
	s5 =	simm.s32 $0xFFFFFFFF;
	p2 =	slt.u32 s8, $0xFFFFF086  }
0x1c: {  	p1 =	slt.u32 s9, $0xF7A;
	s5 =	simm.s32 @!p2 $0x0  }
0x1d: {  	s5 =	simm.s32 @p1 $0x1;
	p0 =	seq.s32 s7, s2  }
0x1e: {  	s7 =	smul.u32 @!p0 $0xF7A, s2;
	p2 =	seq.s32 @!p0 s5, $0x0  }
0x1f: {  	s9 =	smul.u32 $0xF7A, s1;
	s8 =	simm.s32 @!p0 $0x1BF5;
	p2 =	por !p2, p0  }
0x20: {  	[sflag:s8] =	ssyncset.s32 @!p0 $0xFFFFF086;
	s6 =	sadd.s32 @!p0 s3, s7;
	s7 =	simm.s32 @!p0 $0x108  }
0x21: {  	s3 =	sadd.s32 s3, s9;
	s6 =	sadd.s32 @!p0 $0x88, s6;
	s7 =	simm.s32 @p2 $0x1082  }
0x22: {  	[simem:s7], [sflag:s8] =	dma.local @!p0 [hbm:s6], $0xF7A  }
0x23: {  	s9 =	sor.u32 $0xD0000000, s2;
	s6 =	simm.s32 $0x108;
	_ =	swait.ge @!p0 [sflag:s8], $0x0  }
0x24: {  	s3 =	sadd.s32 $0x88, s3;
	s6 =	simm.s32 @!p1 $0x1082;
	[sflag:s4] =	ssyncset.s32 $0xFFFFF086  }
0x25: {  	[simem:s6], [sflag:s4] =	dma.local [hbm:s3], $0xF7A  }
0x26: {  	[smem:$0x3F9B] =	sst s1;
	(tag) =	ssettag s2;
	_ =	strace s9  }
0x27: {  	s1 =	sld [smem:$0x3FAB]  }
0x28: {  	s2 =	sld [smem:$0x3FAC]  }
0x29: {  	s4 =	sld [smem:$0x3FAE]  }
0x2a: {  	p0 =	seq.s32 s5, $0x0;
	s5 =	sld [smem:$0x3FAF]  }
0x2b: {  	s6 =	sld [smem:$0x3FB0]  }
0x2c: {  	s7 =	sld [smem:$0x3FB1]  }
0x2d: {  	s3 =	simm.s32 $0x108;
	s8 =	sld [smem:$0x3FB2]  }
0x2e: {  	s3 =	simm.s32 @!p0 $0x1082;
	s9 =	sld [smem:$0x3FB3]  }
0x2f: {  	lr =	sadd.s32 s0, s3;
	s0 =	sld [smem:$0x3FAA]  }
0x30: {  	s3 =	sld [smem:$0x3FAD]  }
0x31: {  	[smem:$0x3FB6] =	sst s10  }
0x32: {  	s10 =	sld [smem:$0x3FB4];
	_ =	sdelay $0x3  }
0x33: {  	p0 =	seq.s32 s10, $0x1;
	s10 =	sld [smem:$0x3FB6];
	_ =	sdelay $0x3  }
0x34: {  	[smem:$0x3FB6] =	sst s10  }
0x35: {  	s10 =	sld [smem:$0x3FB5];
	_ =	sdelay $0x3  }
0x36: {  	p1 =	seq.s32 s10, $0x1;
	s10 =	sld [smem:$0x3FB6];
	_ =	sdelay $0x3  }
0x37: {  	[smem:$0x3FB6] =	sst s10  }
0x38: {  	s10 =	sld [smem:$0x3FB7]  }
0x39: {  	_ = 	snop;
	(pc) =	sbr.ind lr, $3  }
0x3a: {  	_ = 	snop  }
0x3b: {  	_ = 	snop  }
0x3c: {  	p2 =	seq.s32 s10, $0x1;
	s10 =	sld [smem:$0x3FB6]  }
0x3d: {  	_ =	shalt  }
0x3e: {  	_ =	shalt  }
0x3f: {  	_ =	shalt  }
0x40: {  	_ =	shalt  }
0x41: {  	_ =	shalt  }
0x42: {  	_ =	shalt  }
0x43: {  	_ =	shalt  }
0x44: {  	_ =	shalt  }
0x45: {  	_ =	shalt  }
0x46: {  	_ =	shalt  }
0x47: {  	_ =	shalt  }
0x48: {  	_ =	shalt  }
0x49: {  	_ =	shalt  }
0x4a: {  	_ =	shalt  }
0x4b: {  	_ =	shalt  }
0x4c: {  	_ =	shalt  }
0x4d: {  	_ =	shalt  }
0x4e: {  	_ =	shalt  }
0x4f: {  	_ =	shalt  }
0x50: {  	_ =	shalt  }
0x51: {  	_ =	shalt  }
0x52: {  	_ =	shalt  }
0x53: {  	_ =	shalt  }
0x54: {  	_ =	shalt  }
0x55: {  	_ =	shalt  }
0x56: {  	_ =	shalt  }
0x57: {  	_ =	shalt  }
0x58: {  	_ =	shalt  }
0x59: {  	_ =	shalt  }
0x5a: {  	_ =	shalt  }
0x5b: {  	_ =	shalt  }
0x5c: {  	_ =	shalt  }
0x5d: {  	_ =	shalt  }
0x5e: {  	_ =	shalt  }
0x5f: {  	_ =	shalt  }
0x60: {  	_ =	shalt  }
0x61: {  	_ =	shalt  }
0x62: {  	_ =	shalt  }
0x63: {  	_ =	shalt  }
0x64: {  	_ =	shalt  }
0x65: {  	_ =	shalt  }
0x66: {  	_ =	shalt  }
0x67: {  	_ =	shalt  }
0x68: {  	_ =	shalt  }
0x69: {  	_ =	shalt  }
0x6a: {  	_ =	shalt  }
0x6b: {  	_ =	shalt  }
0x6c: {  	_ =	shalt  }
0x6d: {  	_ =	shalt  }
0x6e: {  	_ =	shalt  }
0x6f: {  	_ =	shalt  }
0x70: {  	_ =	shalt  }
0x71: {  	_ =	shalt  }
0x72: {  	_ =	shalt  }
0x73: {  	_ =	shalt  }
0x74: {  	_ =	shalt  }
0x75: {  	_ =	shalt  }
0x76: {  	_ =	shalt  }
0x77: {  	_ =	shalt  }
0x78: {  	_ =	shalt  }
0x79: {  	_ =	shalt  }
0x7a: {  	_ =	shalt  }
0x7b: {  	_ =	shalt  }
0x7c: {  	_ =	shalt  }
0x7d: {  	_ =	shalt  }
0x7e: {  	_ =	shalt  }
0x7f: {  	_ =	shalt  }
0x80: {  	_ =	shalt  }
0x81: {  	_ =	shalt  }
0x82: {  	_ =	shalt  }
0x83: {  	_ =	shalt  }
0x84: {  	_ =	shalt  }
0x85: {  	_ =	shalt  }
0x86: {  	_ =	shalt  }
0x87: {  	_ =	shalt  }
.Lfunc_end0:
.L_simem_size_0:
called_computation_lowered:
.L_overlay_start_0:
0x88: {  	s2 =	sld [smem:$0x3FD9]  }
0x89: {  	s3 =	sld [smem:$0x3FFE];
	_ =	sdelay $0x1  }
0x8a: {  	s1 =	srdreg.scid  }
0x8b: {  	s0 =	sand.u32 $0x1, s1  }
0x8c: {  	s15 =	sshll.u32 s0, $0xA;
	s2 =	sadd.s32 s3, s2  }
0x8d: {  	s2 =	sadd.s32 s2, s15  }
0x8e: {  	[smem:$0x3FC2] =	sst s2  }
0x8f: {  	_ = 	snop  }
0x90: {  	s2 =	sld [smem:$0x3FC9]  }
0x91: {  	s16 =	sld [smem:$0x3FC8]  }
0x92: {  	s4 =	sld [smem:$0x3FC7]  }
0x93: {  	s5 =	sld [smem:$0x3FD0]  }
0x94: {  	s6 =	sld [smem:$0x3FC6]  }
0x95: {  	s7 =	sld [smem:$0x3FC5]  }
0x96: {  	s9 =	simm.s32 $0xA;
	s10 =	simm.s32 $0x10;
	s8 =	sld [smem:$0x3FC4]  }
0x97: {  	[smem:s10], [sflag:s9] =	dma.local [hbm:s5], $0x1  }
0x98: {  	_ =	swait.eq [sflag:s9], $0x1  }
0x99: {  	[sflag:s9] =	ssyncset.done $0x0  }
0x9a: {  	s17 =	sld [smem:$0x10];
	[sflag:s9] =	ssyncadd.s32 $0xFFFFFFFF  }
0x9b: {  	s18 =	sld [smem:$0x11];
	(tm) =	ssettm $0x1  }
0x9c: {  	s19 =	sld [smem:$0x3FFB];
	_ =	sdelay $0x3  }
0x9d: {  	_ =	strace s19  }
0x9e: {  	s10 =	sld [smem:$0x3FFC];
	_ =	sdelay $0x3  }
0x9f: {  	_ =	strace s10  }
0xa0: {  	s10 =	sld [smem:$0x3FFD];
	_ =	sdelay $0x3  }
0xa1: {  	_ =	strace s10  }
0xa2: {  	_ =	strace $0x8FFFFFFF  }
0xa3: {  	s20 =	sld [smem:$0x3FDB];
	_ =	sdelay $0x1  }
0xa4: {  	s11 =	simm.s32 $_scs_section_size  }
0xa5: {  	s12 =	simm.s32 $_size__tile_overlayer_lowered;
	s13 =	simm.s32 $_tile_overlayer_lowered  }
0xa6: {  	s23 =	simm.s32 $0x1BFF;
	s22 =	sshll.u32 s13, $0x1;
	s10 =	sadd.s32 s11, s20  }
0xa7: {  	s14 =	simm.s32 $0x0;
	s21 =	sshll.u32 s12, $0x1;
	s12 =	sadd.s32 s22, s10  }
0xa8: {  	[timem:s14], [sflag:s23] =	dma.local [hbm:s12], s21  }
0xa9: {  	_ =	swait.ge [sflag:s23], s21  }
0xaa: {  	s11 =	ssub.s32 $0x0, s21;
	[sflag:s23] =	ssyncset.done $0x0  }
0xab: {  	[sflag:s23] =	ssyncadd.s32 s11;
	_ =	sdelay $0x1  }
0xac: {  	s24 =	simm.s32 $0x1B8B  }
0xad: {  	_ =	swait.ge [sflag:s24], $0x1  }
0xae: {  	[sflag:s24] =	ssyncset.done $0x0  }
0xaf: {  	s25 =	simm.s32 $0x1B8E;
	[sflag:s24] =	ssyncadd.s32 $0xFFFFFFFF  }
0xb0: {  	s26 =	simm.s32 $execute0_lowered;
	[smem:$0x3FD2] =	sst s25  }
0xb1: {  	s11 =	sshll.u32 s26, $0x1;
	_ =	strace $0x80000046;
	[dreg:$0x1] =	wrdreg $0xFFFFFFFF  }
0xb2: {  	s28 =	simm.s32 $_size_execute0_lowered;
	s10 =	sadd.s32 s10, s11;
	[dreg:$0x0] =	wrdreg $0x0  }
0xb3: {  	s11 =	sshll.u32 s28, $0x1;
	[dreg:$0x2] =	wrdreg s10  }
0xb4: {  	[dreg:$0x3] =	wrdreg s11  }
0xb5: {  	[dreg:$0x4] =	wrdreg $0xC0  }
0xb6: {  	_ =	task [dreg:s14], $0x5FFFF  }
0xb7: {  	[dreg:$0x1] =	wrdreg $0xFFFFFFFF  }
0xb8: {  	[dreg:$0x0] =	wrdreg $0x60  }
0xb9: {  	[dreg:$0x2] =	wrdreg s2  }
0xba: {  	[dreg:$0x3] =	wrdreg s16  }
0xbb: {  	[dreg:$0x4] =	wrdreg s4  }
0xbc: {  	[dreg:$0x5] =	wrdreg s6  }
0xbd: {  	[dreg:$0x6] =	wrdreg s7  }
0xbe: {  	[dreg:$0x7] =	wrdreg s8  }
0xbf: {  	[dreg:$0x8] =	wrdreg s17  }
0xc0: {  	[dreg:$0x9] =	wrdreg s18  }
0xc1: {  	[dreg:$0xa] =	wrdreg $0x9  }
0xc2: {  	_ =	task.clear_ibuf [dreg:s14], $0xBFFFF;
	_ =	strace $0x90000046  }
0xc3: {  	s29 =	simm.s32 $0x9;
	_ =	strace $0x80000048  }
0xc4: {  	_ =	swait.ge [sflag:s29], $0x1  }
0xc5: {  	[sflag:s29] =	ssyncadd.s32 $0xFFFFFFFF  }
0xc6: {  	_ =	strace $0x90000048  }
0xc7: {  	_ =	sfence  }
0xc8: {  	s30 =	sld [smem:$0x0];
	_ =	sdelay $0x2  }
0xc9: {  	s31 =	sshll.u32 s1, $0xD;
	s1 =	sshrl.u32 s1, $0x2  }
0xca: {  	s3 =	sand.u32 $0x4000, s31;
	s1 =	sadd.s32 s1, s30  }
0xcb: {  	s0 =	sor.u32 s3, s0;
	s1 =	sshll.u32 s1, $0x11  }
0xcc: {  	s0 =	sor.u32 s1, s0  }
0xcd: {  	s0 =	sadd.s32 $0x8F2B, s0  }
0xce: {  	[sflag:s0] =	ssyncadd.remote.s32 $0x1  }
0xcf: {  	_ =	sfence.sel $0xFFFF  }
0xd0: {  	[dreg:$0x0] =	wrdreg $0xFFFFFFFF;
	(pc) =	sbr.abs _section_cstart, $3  }
0xd1: {  	[dreg:$0x1] =	wrdreg $0xFFFFFFFF  }
0xd2: {  	_ =	task.clear_ibuf [dreg:s14], $0x2FFFF;
	_ =	strace $0x9FFFFFFF  }
0xd3: {  	(tm) =	ssettm $0x7FFFFFFF  }
tec
execute0_lowered:
.L_overlay_start_1:
0x0: {  	(tag) =	ssettag $0x1  }
0x1: {  	s0 =	rddreg [dreg:$0x0]  }
0x2: {  	s3 =	rddreg [dreg:$0x1]  }
0x3: {  	s4 =	rddreg [dreg:$0x2]  }
0x4: {  	s1 =	rddreg [dreg:$0x3]  }
0x5: {  	s2 =	rddreg [dreg:$0x4]  }
0x6: {  	s9 =	rddreg [dreg:$0x6]  }
0x7: {  	s10 =	rddreg [dreg:$0x7];
	s6 =	srdreg.scid;
	s5 =	simm.s32 $0x0  }
0x8: {  	s11 =	stileid.u32;
	s13 =	simm.s32 $0x3;
	s14 =	simm.s32 $0x200  }
0x9: {  	s15 =	simm.s32 $0x400;
	s16 =	simm.s32 $0x40;
	s18 =	simm.s32 $0x2600  }
0xa: {  	s19 =	simm.s32 $0x4600;
	s20 =	simm.s32 $0x6600;
	s21 =	simm.s32 $0x240  }
0xb: {  	s22 =	simm.s32 $0x8600;
	s23 =	simm.s32 $0x440;
	s24 =	simm.s32 $0xA600  }
0xc: {  	s25 =	simm.s32 $0x1;
	s26 =	simm.s32 $0xC680;
	s28 =	simm.s32 $0xC880  }
0xd: {  	s29 =	simm.s32 $0x2;
	s30 =	simm.s32 $0x0;
	s6 =	sand.u32 $0x1, s6  }
.Ltmp0:
0xe: {  	[smem:$0x7FF] =	sst s5;
	s7 =	ssub.s32 $0x2, s6;
	(pc) =	sbr.rel .LBB2_1-.Ltmp0, $4  }
0xf: {  	s11 =	sshll.u32 s11, $0x7;
	s6 =	sshll.u32 s6, $0x6;
	s8 =	sshrl.u32 s7, $0x1  }
0x10: {  	_ =	strace $0x80000047;
	s11 =	sor.u32 s6, s11;
	s12 =	ssub.s32 s7, s8  }
0x11: {  	s6 =	sadd.s32 s0, s11;
	s7 =	sadd.s32 s3, s11;
	s8 =	sadd.s32 s4, s11  }
0x12: {  	vm0 =	vcmask $0x3F3C;
	s9 =	sadd.s32 s9, s11;
	s10 =	sadd.s32 s10, s11;
	s11 =	smax.u32 s12, $0x1  }
.LBB2_8:
0x13: {  	[hbm4b:s9+s5] =	stream.linear.scatter [tilespmem:s26], [sflag:$0x3], $0x200, $0x38;
	[tilespmem:$0xCA80] =	vst v63  }
0x14: {  	s30 =	sadd.s32 $0x1, s30;
	_ =	swait.ge [sflag:s13], $0x200  }
0x15: {  	p0 =	sne.s32 s30, s11;
	[sflag:s13] =	ssyncset.done $0x0  }
.Ltmp1:
0x16: {  	[sflag:s13] =	ssyncadd.s32 $0xFFFFFE00;
	(pc) =	sbr.rel @!p0 .LBB2_9-.Ltmp1, $4  }
0x17: {  	[hbm4b:s10+s5] =	stream.linear.scatter [tilespmem:s28], [sflag:$0x3], $0x200, $0x38;
	[tilespmem:$0xCA80] =	vst v63  }
0x18: {  	_ =	swait.ge [sflag:s13], $0x200  }
0x19: {  	[sflag:s13] =	ssyncset.done $0x0  }
0x1a: {  	[sflag:s13] =	ssyncadd.s32 $0xFFFFFE00  }
.LBB2_1:
0x1b: {  	s0 =	rddreg [dreg:$0x5];
	s3 =	simm.s32 $0xC600  }
0x1c: {  	[tilespmem:s3], [sflag:$0x3] =	stream.linear.gather [hbm4b:s0+s5], $0x80, $0x38;
	[tilespmem:$0xCA80] =	vst v63  }
0x1d: {  	_ =	swait.ge [sflag:s13], $0x80  }
0x1e: {  	[sflag:s13] =	ssyncset.done $0x0  }
0x1f: {  	[sflag:s13] =	ssyncadd.s32 $0xFFFFFF80  }
0x20: {  	[tilespmem:s5], [sflag:$0x3] =	stream.linear.gather [hbm4b:s6+s5], $0x200, $0x38;
	[tilespmem:$0xCA80] =	vst v63  }
0x21: {  	_ =	swait.ge [sflag:s13], $0x200  }
0x22: {  	[sflag:s13] =	ssyncset.done $0x0  }
0x23: {  	[sflag:s13] =	ssyncadd.s32 $0xFFFFFE00  }
0x24: {  	[tilespmem:s14], [sflag:$0x3] =	stream.linear.gather [hbm4b:s7+s5], $0x200, $0x38;
	[tilespmem:$0xCA80] =	vst v63  }
0x25: {  	_ =	swait.ge [sflag:s13], $0x200  }
0x26: {  	[sflag:s13] =	ssyncset.done $0x0  }
0x27: {  	[sflag:s13] =	ssyncadd.s32 $0xFFFFFE00  }
0x28: {  	[tilespmem:s15], [sflag:$0x3] =	stream.linear.gather [hbm4b:s8+s5], $0x200, $0x38;
	[tilespmem:$0xCA80] =	vst v63  }
0x29: {  	_ =	swait.ge [sflag:s13], $0x200  }
0x2a: {  	[sflag:s13] =	ssyncset.done $0x0  }
0x2b: {  	[sflag:s13] =	ssyncadd.s32 $0xFFFFFE00  }
0x2c: {  	v0 =	vld [tilespmem:$0xC600]  }
0x2d: {  	v1 =	vld [tilespmem:$0xC610]  }
0x2e: {  	v2 =	vld [tilespmem:$0xC620]  }
0x2f: {  	v3 =	vld [tilespmem:$0xC630]  }
0x30: {  	v4 =	vld [tilespmem:$0xC640]  }
0x31: {  	v5 =	vld [tilespmem:$0xC650]  }
0x32: {  	s17 =	simm.s32 $0x600;
	v6 =	vld [tilespmem:$0xC660]  }
0x33: {  	v7 =	vld [tilespmem:$0xC670];
	[tilespmem:s17], [sflag:$0x1] =	stream.indirect.gather [hbm4b:s1+s16], $0x80, s5, s16, $0xb8  }
0x34: {  	_ = 	snop  }
0x35: {  	[tilespmem:s18], [sflag:$0x1] =	stream.indirect.gather [hbm4b:s2+s16], $0x80, s14, s16, $0xb8;
	[tilespmem:$0xCA80] =	vst v63  }
0x36: {  	_ = 	snop  }
0x37: {  	[tilespmem:s19], [sflag:$0x1] =	stream.indirect.gather [hbm4b:s2+s16], $0x80, s15, s16, $0xb8;
	[tilespmem:$0xCA80] =	vst v63  }
0x38: {  	_ = 	snop  }
0x39: {  	[tilespmem:s20], [sflag:$0x2] =	stream.indirect.gather [hbm4b:s1+s16], $0x80, s16, s16, $0xb8;
	[tilespmem:$0xCA80] =	vst v63  }
0x3a: {  	_ = 	snop  }
0x3b: {  	[tilespmem:s22], [sflag:$0x2] =	stream.indirect.gather [hbm4b:s2+s16], $0x80, s21, s16, $0xb8;
	[tilespmem:$0xCA80] =	vst v63  }
0x3c: {  	s31 =	simm.s32 $0x0  }
0x3d: {  	[tilespmem:s24], [sflag:$0x2] =	stream.indirect.gather [hbm4b:s2+s16], $0x80, s23, s16, $0xb8;
	[tilespmem:$0xCA80] =	vst v63  }
.LBB2_2:
0x3e: {  	_ =	swait.ge [sflag:s25], $0x2000  }
0x3f: {  	[sflag:s25] =	ssyncset.done $0x0  }
0x40: {  	[sflag:s25] =	ssyncadd.s32 $0xFFFFE000  }
0x41: {  	_ =	swait.ge [sflag:s25], $0x2000  }
0x42: {  	[sflag:s25] =	ssyncset.done $0x0  }
0x43: {  	[sflag:s25] =	ssyncadd.s32 $0xFFFFE000  }
0x44: {  	_ =	swait.ge [sflag:s25], $0x2000  }
0x45: {  	[sflag:s25] =	ssyncset.done $0x0  }
0x46: {  	s12 =	simm.s32 $0x2680;
	[sflag:s25] =	ssyncadd.s32 $0xFFFFE000  }
0x47: {  	v8 =	vld [tilespmem:s12+$0x60]  }
0x48: {  	s4 =	simm.s32 $0x680;
	v9 =	vld [tilespmem:s12+$0x70]  }
0x49: {  	v10 =	vld [tilespmem:s4+$0x60]  }
0x4a: {  	v11 =	vld [tilespmem:s4+$0x70]  }
0x4b: {  	v12 =	vld [tilespmem:s12+$0x40]  }
0x4c: {  	v13 =	vld [tilespmem:s12+$0x50]  }
0x4d: {  	v14 =	vld [tilespmem:s4+$0x40]  }
0x4e: {  	v15 =	vld [tilespmem:s4+$0x50]  }
0x4f: {  	v16 =	vld [tilespmem:s12+$0x0]  }
0x50: {  	v17 =	vld [tilespmem:s12+$0x10]  }
0x51: {  	v18 =	vld [tilespmem:s4+$0x0]  }
0x52: {  	v19 =	vld [tilespmem:s4+$0x10]  }
0x53: {  	v20 =	vld [tilespmem:s4+$0x20]  }
0x54: {  	v21 =	vld [tilespmem:s4+$0x30]  }
0x55: {  	v22 =	vld [tilespmem:s12+$0x20]  }
0x56: {  	s3 =	simm.s32 $0x4680;
	v23 =	vld [tilespmem:s12+$0x30]  }
0x57: {  	v24 =	vld [tilespmem:s3+$0x0];
	v10 =	vmul.f32 v10, v6;
	v14 =	vmul.f32 v14, v4  }
0x58: {  	v25 =	vld [tilespmem:s3+$0x10];
	v11 =	vmul.f32 v11, v7;
	v18 =	vmul.f32 v18, v0  }
0x59: {  	v26 =	vld [tilespmem:s3+$0x20];
	v15 =	vmul.f32 v15, v5;
	v19 =	vmul.f32 v19, v1  }
0x5a: {  	v27 =	vld [tilespmem:s3+$0x30];
	v20 =	vmul.f32 v20, v2;
	v21 =	vmul.f32 v21, v3  }
0x5b: {  	v28 =	vld [tilespmem:s3+$0x40];
	v8 =	vmul.f32 v8, v10;
	v12 =	vmul.f32 v12, v14  }
0x5c: {  	v29 =	vld [tilespmem:s3+$0x50];
	v9 =	vmul.f32 v9, v11;
	v16 =	vmul.f32 v16, v18  }
0x5d: {  	v30 =	vld [tilespmem:s3+$0x60];
	v17 =	vmul.f32 v17, v19;
	v22 =	vmul.f32 v22, v20  }
0x5e: {  	v55 =	vld [tilespmem:s3+$0x70];
	v23 =	vmul.f32 v23, v21;
	v18 =	vmul.f32 v24, v18  }
0x5f: {  	v56 =	vld [tilespmem:s4+$0xFFFFFF90];
	v13 =	vmul.f32 v13, v15;
	v19 =	vmul.f32 v25, v19  }
0x60: {  	v57 =	vld [tilespmem:s4+$0xFFFFFFA0];
	v20 =	vmul.f32 v26, v20;
	v21 =	vmul.f32 v27, v21  }
0x61: {  	v60 =	vld [tilespmem:s12+$0xFFFFFFC0];
	v14 =	vmul.f32 v28, v14;
	v16 =	vadd.f32 v22, v16;
	v17 =	vadd.f32 v23, v17  }
0x62: {  	v15 =	vmul.f32 v29, v15;
	v22 =	vld [tilespmem:s4+$0xFFFFFFB0];
	v18 =	vadd.f32 v20, v18;
	v19 =	vadd.f32 v21, v19  }
0x63: {  	v10 =	vmul.f32 v30, v10;
	v20 =	vld [tilespmem:s4+$0xFFFFFF80];
	v12 =	vadd.f32 v12, v16;
	v13 =	vadd.f32 v13, v17  }
0x64: {  	v11 =	vmul.f32 v55, v11;
	v23 =	vld [tilespmem:s3+$0xFFFFFFB0];
	v14 =	vadd.f32 v14, v18;
	v15 =	vadd.f32 v15, v19  }
0x65: {  	v16 =	vld [tilespmem:s4+$0xFFFFFFC0];
	v8 =	vadd.f32 v8, v12;
	v9 =	vadd.f32 v9, v13  }
0x66: {  	v17 =	vld [tilespmem:s4+$0xFFFFFFD0];
	v10 =	vadd.f32 v10, v14;
	v11 =	vadd.f32 v11, v15  }
0x67: {  	v18 =	vld [tilespmem:s3+$0xFFFFFFA0];
	v8 =	vadd.f32 v9, v8  }
0x68: {  	v12 =	vld [tilespmem:s12+$0xFFFFFF80];
	v9 =	vadd.f32 v11, v10  }
0x69: {  	v13 =	vld [tilespmem:s12+$0xFFFFFF90];
	(xrf2) =	vadd.scan.msk.f32 $0xffff, v8  }
0x6a: {  	v14 =	vld [tilespmem:s12+$0xFFFFFFA0];
	(xrf2) =	vadd.scan.msk.f32 $0xffff, v9  }
0x6b: {  	v10 =	vld [tilespmem:s12+$0xFFFFFFB0]  }
0x6c: {  	v21 =	vmul.f32 v57, v2;
	v19 =	vmul.f32 v56, v1;
	v11 =	vld [tilespmem:s3+$0xFFFFFF80]  }
0x6d: {  	v15 =	vld [tilespmem:s3+$0xFFFFFF90];
	v22 =	vmul.f32 v22, v3;
	v20 =	vmul.f32 v20, v0  }
0x6e: {  	s0 =	sshll.u32 s31, $0x7;
	v59 =	vmul.f32 v16, v4;
	v16 =	vld [tilespmem:s4+$0xFFFFFFF0];
	v18 =	vmul.f32 v18, v21  }
0x6f: {  	v58 =	vld [tilespmem:s4+$0xFFFFFFE0];
	v8 =	vmov s0;
	v9 =	vmul.f32 v17, v5;
	v12 =	vmul.f32 v12, v20  }
0x70: {  	v62 =	vld [tilespmem:s12+$0xFFFFFFD0];
	v13 =	vmul.f32 v13, v19;
	v61 =	vor.u32 $0x1, v8;
	v10 =	vmul.f32 v10, v22  }
0x71: {  	v14 =	vmul.f32 v14, v21;
	v17 =	vmul.f32 v11, v20;
	v20 =	vld [tilespmem:s3+$0xFFFFFFC0]  }
0x72: {  	v19 =	vmul.f32 v15, v19;
	v22 =	vmul.f32 v23, v22;
	v11 =	vadd.f32 v10, v13;
	v13 =	vld [tilespmem:s3+$0xFFFFFFD0]  }
0x73: {  	v15 =	vld [tilespmem:s12+$0xFFFFFFE0];
	v63 =	vadd.f32 v14, v12;
	v23 =	vmul.f32 v60, v59;
	v12 =	vmul.f32 v16, v7;
	v21, _, _ =	vpop (xrf2)  }
0x74: {  	v10 =	vmul.f32 v58, v6;
	v14 =	vadd.f32 v18, v17;
	v17 =	vld [tilespmem:s12+$0xFFFFFFF0];
	v18 =	vmax.f32 v21, $0.0e+00;
	v21, _, _ =	vpop (xrf2)  }
0x75: {  	v16 =	vadd.f32 v22, v19;
	[tilespmem:v61+s26+$0x0] =	vst.idx.msk vm0, v18;
	v19 =	vmax.f32 v21, $0.0e+00;
	v18 =	vld [tilespmem:s3+$0xFFFFFFE0];
	v21 =	vmul.f32 v62, v9  }
0x76: {  	s17 =	simm.s32 $0x2780;
	s12 =	simm.s32 $0x0;
	v22 =	vmul.f32 v20, v59;
	v20 =	vadd.f32 v23, v63;
	[tilespmem:v61+s28+$0x0] =	vst.idx.msk vm0, v19;
	v19 =	vld [tilespmem:s3+$0xFFFFFFF0]  }
.LBB2_3:
0x77: {  	v23 =	vld [tilespmem:s17+$0x60];
	v9 =	vmul.f32 v13, v9;
	v11 =	vadd.f32 v21, v11  }
0x78: {  	s4 =	sadd.s32 $0x100, s4;
	v13 =	vld [tilespmem:s17+$0x70];
	v14 =	vadd.f32 v22, v14;
	v15 =	vmul.f32 v15, v10  }
0x79: {  	v21 =	vld [tilespmem:s4+$0x60];
	v9 =	vadd.f32 v9, v16;
	v16 =	vmul.f32 v17, v12  }
0x7a: {  	v17 =	vld [tilespmem:s4+$0x70];
	v10 =	vmul.f32 v18, v10;
	v15 =	vadd.f32 v15, v20  }
0x7b: {  	v18 =	vld [tilespmem:s17+$0x40];
	v12 =	vmul.f32 v19, v12;
	v11 =	vadd.f32 v16, v11  }
0x7c: {  	v16 =	vld [tilespmem:s17+$0x50];
	v10 =	vadd.f32 v10, v14  }
0x7d: {  	v14 =	vld [tilespmem:s4+$0x40];
	v9 =	vadd.f32 v12, v9;
	v11 =	vadd.f32 v11, v15  }
0x7e: {  	v12 =	vld [tilespmem:s4+$0x50]  }
0x7f: {  	v15 =	vld [tilespmem:s17+$0x0];
	v9 =	vadd.f32 v9, v10;
	(xrf2) =	vadd.scan.msk.f32 $0xffff, v11  }
0x80: {  	v10 =	vld [tilespmem:s17+$0x10]  }
0x81: {  	v11 =	vld [tilespmem:s4+$0x0]  }
0x82: {  	v19 =	vld [tilespmem:s4+$0x10];
	(xrf2) =	vadd.scan.msk.f32 $0xffff, v9  }
0x83: {  	v9 =	vld [tilespmem:s4+$0x20]  }
0x84: {  	v20 =	vld [tilespmem:s4+$0x30]  }
0x85: {  	v21 =	vmul.f32 v21, v6;
	v22 =	vld [tilespmem:s17+$0x20]  }
0x86: {  	s3 =	sadd.s32 $0x100, s3;
	v17 =	vmul.f32 v17, v7;
	v14 =	vmul.f32 v14, v4;
	v24 =	vld [tilespmem:s17+$0x30]  }
0x87: {  	v12 =	vmul.f32 v12, v5;
	v11 =	vmul.f32 v11, v0;
	v25 =	vld [tilespmem:s3+$0x0]  }
0x88: {  	s12 =	sadd.s32 $0x2, s12;
	v19 =	vmul.f32 v19, v1;
	v26 =	vld [tilespmem:s3+$0x10];
	v9 =	vmul.f32 v9, v2  }
0x89: {  	p0 =	slt.u32 s12, $0x3E;
	v23 =	vmul.f32 v23, v21;
	v27 =	vld [tilespmem:s3+$0x20];
	v20 =	vmul.f32 v20, v3;
	v28, _, _ =	vpop (xrf2)  }
0x8a: {  	v13 =	vmul.f32 v13, v17;
	v18 =	vmul.f32 v18, v14;
	v29 =	vld [tilespmem:s3+$0x30];
	v28 =	vmax.f32 v28, $0.0e+00  }
0x8b: {  	v15 =	vmul.f32 v15, v11;
	v10 =	vmul.f32 v10, v19;
	v30 =	vld [tilespmem:s3+$0x40];
	[tilespmem:v8+s26+$0x0] =	vst.idx.msk vm0, v28  }
0x8c: {  	v22 =	vmul.f32 v22, v9;
	v24 =	vmul.f32 v24, v20;
	v28 =	vld [tilespmem:s3+$0x50];
	v31, _, _ =	vpop (xrf2)  }
0x8d: {  	v16 =	vmul.f32 v16, v12;
	v11 =	vmul.f32 v25, v11;
	v32 =	vld [tilespmem:s3+$0x60];
	v25 =	vmax.f32 v31, $0.0e+00  }
0x8e: {  	v15 =	vadd.f32 v22, v15;
	v19 =	vmul.f32 v26, v19;
	v10 =	vadd.f32 v24, v10;
	v31 =	vld [tilespmem:s3+$0x70]  }
0x8f: {  	v9 =	vmul.f32 v27, v9;
	v22 =	vld [tilespmem:s4+$0xFFFFFF90];
	v20 =	vmul.f32 v29, v20;
	[tilespmem:v8+s28+$0x0] =	vst.idx.msk vm0, v25  }
0x90: {  	v15 =	vadd.f32 v18, v15;
	v10 =	vadd.f32 v16, v10;
	v24 =	vld [tilespmem:s4+$0xFFFFFFA0];
	v14 =	vmul.f32 v30, v14  }
0x91: {  	v9 =	vadd.f32 v9, v11;
	v16 =	vld [tilespmem:s4+$0xFFFFFFB0];
	v11 =	vadd.f32 v20, v19;
	v12 =	vmul.f32 v28, v12  }
0x92: {  	v15 =	vadd.f32 v23, v15;
	v10 =	vadd.f32 v13, v10;
	v18 =	vld [tilespmem:s4+$0xFFFFFF80];
	v19 =	vmul.f32 v32, v21  }
0x93: {  	v9 =	vadd.f32 v14, v9;
	v13 =	vld [tilespmem:s4+$0xFFFFFFC0];
	v11 =	vadd.f32 v12, v11;
	v12 =	vmul.f32 v31, v17  }
0x94: {  	v10 =	vadd.f32 v10, v15;
	v14 =	vld [tilespmem:s4+$0xFFFFFFD0];
	v17 =	vmul.f32 v22, v1  }
0x95: {  	v9 =	vadd.f32 v19, v9;
	v15 =	vld [tilespmem:s17+$0xFFFFFF80];
	v20 =	vmul.f32 v24, v2;
	v11 =	vadd.f32 v12, v11  }
0x96: {  	v12 =	vld [tilespmem:s17+$0xFFFFFF90];
	v16 =	vmul.f32 v16, v3;
	(xrf2) =	vadd.scan.msk.f32 $0xffff, v10  }
0x97: {  	v10 =	vld [tilespmem:s17+$0xFFFFFFA0];
	v18 =	vmul.f32 v18, v0;
	v11 =	vadd.f32 v11, v9  }
0x98: {  	v19 =	vld [tilespmem:s17+$0xFFFFFFB0];
	v22 =	vmul.f32 v13, v4  }
0x99: {  	v13 =	vld [tilespmem:s3+$0xFFFFFF80];
	v9 =	vmul.f32 v14, v5;
	(xrf2) =	vadd.scan.msk.f32 $0xffff, v11  }
0x9a: {  	v11 =	vld [tilespmem:s3+$0xFFFFFF90];
	v14 =	vmul.f32 v15, v18  }
0x9b: {  	v15 =	vld [tilespmem:s3+$0xFFFFFFA0];
	v12 =	vmul.f32 v12, v17  }
0x9c: {  	v21 =	vld [tilespmem:s3+$0xFFFFFFB0];
	v10 =	vmul.f32 v10, v20  }
0x9d: {  	v23 =	vld [tilespmem:s4+$0xFFFFFFE0];
	v19 =	vmul.f32 v19, v16  }
0x9e: {  	v8 =	vadd.s32 $0x2, v8;
	v24 =	vld [tilespmem:s4+$0xFFFFFFF0];
	v18 =	vmul.f32 v13, v18;
	v25 =	vadd.f32 v10, v14  }
0x9f: {  	v26 =	vld [tilespmem:s17+$0xFFFFFFC0];
	v17 =	vmul.f32 v11, v17;
	v11 =	vadd.f32 v19, v12;
	v19 =	vor.u32 $0x1, v8  }
0xa0: {  	v27 =	vld [tilespmem:s17+$0xFFFFFFD0];
	v12 =	vmul.f32 v15, v20;
	v20, _, _ =	vpop (xrf2)  }
0xa1: {  	v28 =	vld [tilespmem:s3+$0xFFFFFFC0];
	v16 =	vmul.f32 v21, v16  }
.Ltmp2:
0xa2: {  	v13 =	vld [tilespmem:s3+$0xFFFFFFD0];
	v10 =	vmul.f32 v23, v6;
	v14 =	vadd.f32 v12, v18;
	(pc) =	sbr.rel @p0 .LBB2_3-.Ltmp2, $4  }
0xa3: {  	v18 =	vmax.f32 v20, $0.0e+00;
	v15 =	vld [tilespmem:s17+$0xFFFFFFE0];
	v12 =	vmul.f32 v24, v7;
	v16 =	vadd.f32 v16, v17;
	v20, _, _ =	vpop (xrf2)  }
0xa4: {  	v17 =	vld [tilespmem:s17+$0xFFFFFFF0];
	v23 =	vmul.f32 v26, v22;
	[tilespmem:v19+s26+$0x0] =	vst.idx.msk vm0, v18;
	v20 =	vmax.f32 v20, $0.0e+00  }
0xa5: {  	v18 =	vld [tilespmem:s3+$0xFFFFFFE0];
	v21 =	vmul.f32 v27, v9;
	[tilespmem:v19+s28+$0x0] =	vst.idx.msk vm0, v20  }
0xa6: {  	s17 =	sadd.s32 $0x100, s17;
	v19 =	vld [tilespmem:s3+$0xFFFFFFF0];
	v22 =	vmul.f32 v28, v22;
	v20 =	vadd.f32 v23, v25  }
0xa7: {  	_ =	sdelay $0x1  }
0xa8: {  	v9 =	vmul.f32 v13, v9;
	v11 =	vadd.f32 v21, v11  }
0xa9: {  	v13 =	vadd.f32 v22, v14;
	v14 =	vmul.f32 v15, v10;
	v15 =	vmul.f32 v17, v12  }
0xaa: {  	v9 =	vadd.f32 v9, v16;
	v10 =	vmul.f32 v18, v10;
	v12 =	vmul.f32 v19, v12  }
0xab: {  	v14 =	vadd.f32 v14, v20;
	v11 =	vadd.f32 v15, v11  }
0xac: {  	v10 =	vadd.f32 v10, v13;
	v9 =	vadd.f32 v12, v9  }
0xad: {  	v11 =	vadd.f32 v11, v14  }
0xae: {  	v9 =	vadd.f32 v9, v10  }
0xaf: {  	(xrf2) =	vadd.scan.msk.f32 $0xffff, v11  }
0xb0: {  	(xrf2) =	vadd.scan.msk.f32 $0xffff, v9;
	_ =	sdelay $0x8  }
0xb1: {  	v9, _, _ =	vpop (xrf2)  }
0xb2: {  	v9 =	vmax.f32 v9, $0.0e+00;
	v10, _, _ =	vpop (xrf2)  }
0xb3: {  	p0 =	seq.s32 s31, $0x3;
	[tilespmem:v8+s26+$0x0] =	vst.idx.msk vm0, v9;
	v9 =	vmax.f32 v10, $0.0e+00  }
0xb4: {  	s3 =	sadd.s32 @!p0 $0x80, s0;
	s4 =	simm.s32 @!p0 $0x40;
	s12 =	simm.s32 @!p0 $0x600;
	[tilespmem:v8+s28+$0x0] =	vst.idx.msk vm0, v9  }
0xb5: {  	[tilespmem:s12], [sflag:$0x1] =	stream.indirect.gather @!p0 [hbm4b:s1+s4], $0x80, s3, s4, $0xb8;
	[tilespmem:$0xCA80] =	vst v63  }
0xb6: {  	s3 =	sadd.s32 @!p0 $0x280, s0;
	s12 =	simm.s32 @!p0 $0x2600  }
0xb7: {  	[tilespmem:s12], [sflag:$0x1] =	stream.indirect.gather @!p0 [hbm4b:s2+s4], $0x80, s3, s4, $0xb8;
	[tilespmem:$0xCA80] =	vst v63  }
0xb8: {  	s3 =	sadd.s32 @!p0 $0x480, s0;
	s12 =	simm.s32 @!p0 $0x4600  }
0xb9: {  	[tilespmem:s12], [sflag:$0x1] =	stream.indirect.gather @!p0 [hbm4b:s2+s4], $0x80, s3, s4, $0xb8;
	[tilespmem:$0xCA80] =	vst v63  }
0xba: {  	_ =	swait.ge [sflag:s29], $0x2000  }
0xbb: {  	[sflag:s29] =	ssyncset.done $0x0  }
0xbc: {  	[sflag:s29] =	ssyncadd.s32 $0xFFFFE000  }
0xbd: {  	_ =	swait.ge [sflag:s29], $0x2000  }
0xbe: {  	[sflag:s29] =	ssyncset.done $0x0  }
0xbf: {  	[sflag:s29] =	ssyncadd.s32 $0xFFFFE000  }
0xc0: {  	_ =	swait.ge [sflag:s29], $0x2000  }
0xc1: {  	[sflag:s29] =	ssyncset.done $0x0  }
0xc2: {  	s12 =	simm.s32 $0x8680;
	[sflag:s29] =	ssyncadd.s32 $0xFFFFE000  }
0xc3: {  	v8 =	vld [tilespmem:s12+$0x60]  }
0xc4: {  	s4 =	simm.s32 $0x6680;
	v9 =	vld [tilespmem:s12+$0x70]  }
0xc5: {  	v10 =	vld [tilespmem:s4+$0x60]  }
0xc6: {  	v11 =	vld [tilespmem:s4+$0x70]  }
0xc7: {  	v12 =	vld [tilespmem:s12+$0x40]  }
0xc8: {  	v13 =	vld [tilespmem:s12+$0x50]  }
0xc9: {  	v14 =	vld [tilespmem:s4+$0x40]  }
0xca: {  	v15 =	vld [tilespmem:s4+$0x50]  }
0xcb: {  	v16 =	vld [tilespmem:s12+$0x0]  }
0xcc: {  	v17 =	vld [tilespmem:s12+$0x10]  }
0xcd: {  	v18 =	vld [tilespmem:s4+$0x0]  }
0xce: {  	v19 =	vld [tilespmem:s4+$0x10]  }
0xcf: {  	v20 =	vld [tilespmem:s4+$0x20]  }
0xd0: {  	v21 =	vld [tilespmem:s4+$0x30]  }
0xd1: {  	v22 =	vld [tilespmem:s12+$0x20]  }
0xd2: {  	s3 =	simm.s32 $0xA680;
	v23 =	vld [tilespmem:s12+$0x30]  }
0xd3: {  	v24 =	vld [tilespmem:s3+$0x0];
	v10 =	vmul.f32 v10, v6;
	v14 =	vmul.f32 v14, v4  }
0xd4: {  	v25 =	vld [tilespmem:s3+$0x10];
	v11 =	vmul.f32 v11, v7;
	v18 =	vmul.f32 v18, v0  }
0xd5: {  	v26 =	vld [tilespmem:s3+$0x20];
	v15 =	vmul.f32 v15, v5;
	v19 =	vmul.f32 v19, v1  }
0xd6: {  	v27 =	vld [tilespmem:s3+$0x30];
	v20 =	vmul.f32 v20, v2;
	v21 =	vmul.f32 v21, v3  }
0xd7: {  	v28 =	vld [tilespmem:s3+$0x40];
	v8 =	vmul.f32 v8, v10;
	v12 =	vmul.f32 v12, v14  }
0xd8: {  	v29 =	vld [tilespmem:s3+$0x50];
	v9 =	vmul.f32 v9, v11;
	v16 =	vmul.f32 v16, v18  }
0xd9: {  	v30 =	vld [tilespmem:s3+$0x60];
	v17 =	vmul.f32 v17, v19;
	v22 =	vmul.f32 v22, v20  }
0xda: {  	v55 =	vld [tilespmem:s3+$0x70];
	v23 =	vmul.f32 v23, v21;
	v18 =	vmul.f32 v24, v18  }
0xdb: {  	v56 =	vld [tilespmem:s4+$0xFFFFFF90];
	v13 =	vmul.f32 v13, v15;
	v19 =	vmul.f32 v25, v19  }
0xdc: {  	v57 =	vld [tilespmem:s4+$0xFFFFFFA0];
	v20 =	vmul.f32 v26, v20;
	v21 =	vmul.f32 v27, v21  }
0xdd: {  	v60 =	vld [tilespmem:s12+$0xFFFFFFC0];
	v14 =	vmul.f32 v28, v14;
	v16 =	vadd.f32 v22, v16;
	v17 =	vadd.f32 v23, v17  }
0xde: {  	v15 =	vmul.f32 v29, v15;
	v22 =	vld [tilespmem:s4+$0xFFFFFFB0];
	v18 =	vadd.f32 v20, v18;
	v19 =	vadd.f32 v21, v19  }
0xdf: {  	v10 =	vmul.f32 v30, v10;
	v20 =	vld [tilespmem:s4+$0xFFFFFF80];
	v12 =	vadd.f32 v12, v16;
	v13 =	vadd.f32 v13, v17  }
0xe0: {  	v11 =	vmul.f32 v55, v11;
	v23 =	vld [tilespmem:s3+$0xFFFFFFB0];
	v14 =	vadd.f32 v14, v18;
	v15 =	vadd.f32 v15, v19  }
0xe1: {  	v16 =	vld [tilespmem:s4+$0xFFFFFFC0];
	v8 =	vadd.f32 v8, v12;
	v9 =	vadd.f32 v9, v13  }
0xe2: {  	v17 =	vld [tilespmem:s4+$0xFFFFFFD0];
	v10 =	vadd.f32 v10, v14;
	v11 =	vadd.f32 v11, v15  }
0xe3: {  	v18 =	vld [tilespmem:s3+$0xFFFFFFA0];
	v8 =	vadd.f32 v9, v8  }
0xe4: {  	v12 =	vld [tilespmem:s12+$0xFFFFFF80];
	v9 =	vadd.f32 v11, v10  }
0xe5: {  	v13 =	vld [tilespmem:s12+$0xFFFFFF90];
	(xrf2) =	vadd.scan.msk.f32 $0xffff, v8  }
0xe6: {  	v14 =	vld [tilespmem:s12+$0xFFFFFFA0];
	(xrf2) =	vadd.scan.msk.f32 $0xffff, v9  }
0xe7: {  	v10 =	vld [tilespmem:s12+$0xFFFFFFB0]  }
0xe8: {  	v21 =	vmul.f32 v57, v2;
	v19 =	vmul.f32 v56, v1;
	v11 =	vld [tilespmem:s3+$0xFFFFFF80]  }
0xe9: {  	v15 =	vld [tilespmem:s3+$0xFFFFFF90];
	v22 =	vmul.f32 v22, v3;
	v20 =	vmul.f32 v20, v0  }
0xea: {  	s17 =	sor.u32 $0x40, s0;
	v59 =	vmul.f32 v16, v4;
	v16 =	vld [tilespmem:s4+$0xFFFFFFF0];
	v18 =	vmul.f32 v18, v21  }
0xeb: {  	v58 =	vld [tilespmem:s4+$0xFFFFFFE0];
	v8 =	vmov s17;
	v9 =	vmul.f32 v17, v5;
	v12 =	vmul.f32 v12, v20  }
0xec: {  	v62 =	vld [tilespmem:s12+$0xFFFFFFD0];
	v13 =	vmul.f32 v13, v19;
	v61 =	vor.u32 $0x1, v8;
	v10 =	vmul.f32 v10, v22  }
0xed: {  	v14 =	vmul.f32 v14, v21;
	v17 =	vmul.f32 v11, v20;
	v20 =	vld [tilespmem:s3+$0xFFFFFFC0]  }
0xee: {  	v19 =	vmul.f32 v15, v19;
	v22 =	vmul.f32 v23, v22;
	v11 =	vadd.f32 v10, v13;
	v13 =	vld [tilespmem:s3+$0xFFFFFFD0]  }
0xef: {  	v15 =	vld [tilespmem:s12+$0xFFFFFFE0];
	v63 =	vadd.f32 v14, v12;
	v23 =	vmul.f32 v60, v59;
	v12 =	vmul.f32 v16, v7;
	v21, _, _ =	vpop (xrf2)  }
0xf0: {  	v10 =	vmul.f32 v58, v6;
	v14 =	vadd.f32 v18, v17;
	v17 =	vld [tilespmem:s12+$0xFFFFFFF0];
	v18 =	vmax.f32 v21, $0.0e+00;
	v21, _, _ =	vpop (xrf2)  }
0xf1: {  	v16 =	vadd.f32 v22, v19;
	[tilespmem:v61+s26+$0x0] =	vst.idx.msk vm0, v18;
	v19 =	vmax.f32 v21, $0.0e+00;
	v18 =	vld [tilespmem:s3+$0xFFFFFFE0];
	v21 =	vmul.f32 v62, v9  }
0xf2: {  	s17 =	simm.s32 $0x8780;
	s12 =	simm.s32 $0x0;
	v22 =	vmul.f32 v20, v59;
	v20 =	vadd.f32 v23, v63;
	[tilespmem:v61+s28+$0x0] =	vst.idx.msk vm0, v19;
	v19 =	vld [tilespmem:s3+$0xFFFFFFF0]  }
.LBB2_5:
0xf3: {  	v23 =	vld [tilespmem:s17+$0x60];
	v9 =	vmul.f32 v13, v9;
	v11 =	vadd.f32 v21, v11  }
0xf4: {  	s4 =	sadd.s32 $0x100, s4;
	v13 =	vld [tilespmem:s17+$0x70];
	v14 =	vadd.f32 v22, v14;
	v15 =	vmul.f32 v15, v10  }
0xf5: {  	v21 =	vld [tilespmem:s4+$0x60];
	v9 =	vadd.f32 v9, v16;
	v16 =	vmul.f32 v17, v12  }
0xf6: {  	v17 =	vld [tilespmem:s4+$0x70];
	v10 =	vmul.f32 v18, v10;
	v15 =	vadd.f32 v15, v20  }
0xf7: {  	v18 =	vld [tilespmem:s17+$0x40];
	v12 =	vmul.f32 v19, v12;
	v11 =	vadd.f32 v16, v11  }
0xf8: {  	v16 =	vld [tilespmem:s17+$0x50];
	v10 =	vadd.f32 v10, v14  }
0xf9: {  	v14 =	vld [tilespmem:s4+$0x40];
	v9 =	vadd.f32 v12, v9;
	v11 =	vadd.f32 v11, v15  }
0xfa: {  	v12 =	vld [tilespmem:s4+$0x50]  }
0xfb: {  	v15 =	vld [tilespmem:s17+$0x0];
	v9 =	vadd.f32 v9, v10;
	(xrf2) =	vadd.scan.msk.f32 $0xffff, v11  }
0xfc: {  	v10 =	vld [tilespmem:s17+$0x10]  }
0xfd: {  	v11 =	vld [tilespmem:s4+$0x0]  }
0xfe: {  	v19 =	vld [tilespmem:s4+$0x10];
	(xrf2) =	vadd.scan.msk.f32 $0xffff, v9  }
0xff: {  	v9 =	vld [tilespmem:s4+$0x20]  }
0x100: {  	v20 =	vld [tilespmem:s4+$0x30]  }
0x101: {  	v21 =	vmul.f32 v21, v6;
	v22 =	vld [tilespmem:s17+$0x20]  }
0x102: {  	s3 =	sadd.s32 $0x100, s3;
	v17 =	vmul.f32 v17, v7;
	v14 =	vmul.f32 v14, v4;
	v24 =	vld [tilespmem:s17+$0x30]  }
0x103: {  	v12 =	vmul.f32 v12, v5;
	v11 =	vmul.f32 v11, v0;
	v25 =	vld [tilespmem:s3+$0x0]  }
0x104: {  	s12 =	sadd.s32 $0x2, s12;
	v19 =	vmul.f32 v19, v1;
	v26 =	vld [tilespmem:s3+$0x10];
	v9 =	vmul.f32 v9, v2  }
0x105: {  	p1 =	slt.u32 s12, $0x3E;
	v23 =	vmul.f32 v23, v21;
	v27 =	vld [tilespmem:s3+$0x20];
	v20 =	vmul.f32 v20, v3;
	v28, _, _ =	vpop (xrf2)  }
0x106: {  	v13 =	vmul.f32 v13, v17;
	v18 =	vmul.f32 v18, v14;
	v29 =	vld [tilespmem:s3+$0x30];
	v28 =	vmax.f32 v28, $0.0e+00  }
0x107: {  	v15 =	vmul.f32 v15, v11;
	v10 =	vmul.f32 v10, v19;
	v30 =	vld [tilespmem:s3+$0x40];
	[tilespmem:v8+s26+$0x0] =	vst.idx.msk vm0, v28  }
0x108: {  	v22 =	vmul.f32 v22, v9;
	v24 =	vmul.f32 v24, v20;
	v28 =	vld [tilespmem:s3+$0x50];
	v31, _, _ =	vpop (xrf2)  }
0x109: {  	v16 =	vmul.f32 v16, v12;
	v11 =	vmul.f32 v25, v11;
	v32 =	vld [tilespmem:s3+$0x60];
	v25 =	vmax.f32 v31, $0.0e+00  }
0x10a: {  	v15 =	vadd.f32 v22, v15;
	v19 =	vmul.f32 v26, v19;
	v10 =	vadd.f32 v24, v10;
	v31 =	vld [tilespmem:s3+$0x70]  }
0x10b: {  	v9 =	vmul.f32 v27, v9;
	v22 =	vld [tilespmem:s4+$0xFFFFFF90];
	v20 =	vmul.f32 v29, v20;
	[tilespmem:v8+s28+$0x0] =	vst.idx.msk vm0, v25  }
0x10c: {  	v15 =	vadd.f32 v18, v15;
	v10 =	vadd.f32 v16, v10;
	v24 =	vld [tilespmem:s4+$0xFFFFFFA0];
	v14 =	vmul.f32 v30, v14  }
0x10d: {  	v9 =	vadd.f32 v9, v11;
	v16 =	vld [tilespmem:s4+$0xFFFFFFB0];
	v11 =	vadd.f32 v20, v19;
	v12 =	vmul.f32 v28, v12  }
0x10e: {  	v15 =	vadd.f32 v23, v15;
	v10 =	vadd.f32 v13, v10;
	v18 =	vld [tilespmem:s4+$0xFFFFFF80];
	v19 =	vmul.f32 v32, v21  }
0x10f: {  	v9 =	vadd.f32 v14, v9;
	v13 =	vld [tilespmem:s4+$0xFFFFFFC0];
	v11 =	vadd.f32 v12, v11;
	v12 =	vmul.f32 v31, v17  }
0x110: {  	v10 =	vadd.f32 v10, v15;
	v14 =	vld [tilespmem:s4+$0xFFFFFFD0];
	v17 =	vmul.f32 v22, v1  }
0x111: {  	v9 =	vadd.f32 v19, v9;
	v15 =	vld [tilespmem:s17+$0xFFFFFF80];
	v20 =	vmul.f32 v24, v2;
	v11 =	vadd.f32 v12, v11  }
0x112: {  	v12 =	vld [tilespmem:s17+$0xFFFFFF90];
	v16 =	vmul.f32 v16, v3;
	(xrf2) =	vadd.scan.msk.f32 $0xffff, v10  }
0x113: {  	v10 =	vld [tilespmem:s17+$0xFFFFFFA0];
	v18 =	vmul.f32 v18, v0;
	v11 =	vadd.f32 v11, v9  }
0x114: {  	v19 =	vld [tilespmem:s17+$0xFFFFFFB0];
	v22 =	vmul.f32 v13, v4  }
0x115: {  	v13 =	vld [tilespmem:s3+$0xFFFFFF80];
	v9 =	vmul.f32 v14, v5;
	(xrf2) =	vadd.scan.msk.f32 $0xffff, v11  }
0x116: {  	v11 =	vld [tilespmem:s3+$0xFFFFFF90];
	v14 =	vmul.f32 v15, v18  }
0x117: {  	v15 =	vld [tilespmem:s3+$0xFFFFFFA0];
	v12 =	vmul.f32 v12, v17  }
0x118: {  	v21 =	vld [tilespmem:s3+$0xFFFFFFB0];
	v10 =	vmul.f32 v10, v20  }
0x119: {  	v23 =	vld [tilespmem:s4+$0xFFFFFFE0];
	v19 =	vmul.f32 v19, v16  }
0x11a: {  	v8 =	vadd.s32 $0x2, v8;
	v24 =	vld [tilespmem:s4+$0xFFFFFFF0];
	v18 =	vmul.f32 v13, v18;
	v25 =	vadd.f32 v10, v14  }
0x11b: {  	v26 =	vld [tilespmem:s17+$0xFFFFFFC0];
	v17 =	vmul.f32 v11, v17;
	v11 =	vadd.f32 v19, v12;
	v19 =	vor.u32 $0x1, v8  }
0x11c: {  	v27 =	vld [tilespmem:s17+$0xFFFFFFD0];
	v12 =	vmul.f32 v15, v20;
	v20, _, _ =	vpop (xrf2)  }
0x11d: {  	v28 =	vld [tilespmem:s3+$0xFFFFFFC0];
	v16 =	vmul.f32 v21, v16  }
.Ltmp3:
0x11e: {  	v13 =	vld [tilespmem:s3+$0xFFFFFFD0];
	v10 =	vmul.f32 v23, v6;
	v14 =	vadd.f32 v12, v18;
	(pc) =	sbr.rel @p1 .LBB2_5-.Ltmp3, $4  }
0x11f: {  	v18 =	vmax.f32 v20, $0.0e+00;
	v15 =	vld [tilespmem:s17+$0xFFFFFFE0];
	v12 =	vmul.f32 v24, v7;
	v16 =	vadd.f32 v16, v17;
	v20, _, _ =	vpop (xrf2)  }
0x120: {  	v17 =	vld [tilespmem:s17+$0xFFFFFFF0];
	v23 =	vmul.f32 v26, v22;
	[tilespmem:v19+s26+$0x0] =	vst.idx.msk vm0, v18;
	v20 =	vmax.f32 v20, $0.0e+00  }
0x121: {  	v18 =	vld [tilespmem:s3+$0xFFFFFFE0];
	v21 =	vmul.f32 v27, v9;
	[tilespmem:v19+s28+$0x0] =	vst.idx.msk vm0, v20  }
0x122: {  	s17 =	sadd.s32 $0x100, s17;
	v19 =	vld [tilespmem:s3+$0xFFFFFFF0];
	v22 =	vmul.f32 v28, v22;
	v20 =	vadd.f32 v23, v25  }
0x123: {  	_ =	sdelay $0x1  }
0x124: {  	v9 =	vmul.f32 v13, v9;
	v11 =	vadd.f32 v21, v11  }
0x125: {  	v56 =	vadd.f32 v22, v14;
	v57 =	vmul.f32 v15, v10;
	v58 =	vmul.f32 v17, v12  }
0x126: {  	v9 =	vadd.f32 v9, v16;
	v59 =	vmul.f32 v18, v10;
	v60 =	vmul.f32 v19, v12  }
0x127: {  	v14 =	vadd.f32 v57, v20;
	v11 =	vadd.f32 v58, v11  }
0x128: {  	v10 =	vadd.f32 v59, v56;
	v9 =	vadd.f32 v60, v9  }
0x129: {  	v11 =	vadd.f32 v11, v14  }
0x12a: {  	v9 =	vadd.f32 v9, v10  }
0x12b: {  	(xrf2) =	vadd.scan.msk.f32 $0xffff, v11  }
0x12c: {  	(xrf2) =	vadd.scan.msk.f32 $0xffff, v9;
	_ =	sdelay $0x7  }
.Ltmp4:
0x12d: {  	_ = 	snop;
	(pc) =	sbr.rel @p0 .LBB2_8-.Ltmp4, $4  }
0x12e: {  	v61, _, _ =	vpop (xrf2)  }
0x12f: {  	v9 =	vmax.f32 v61, $0.0e+00;
	v62, _, _ =	vpop (xrf2)  }
0x130: {  	[tilespmem:v8+s26+$0x0] =	vst.idx.msk vm0, v9;
	v63 =	vmax.f32 v62, $0.0e+00  }
0x131: {  	[tilespmem:v8+s28+$0x0] =	vst.idx.msk vm0, v63  }
0x132: {  	s3 =	sadd.s32 $0xC0, s0  }
0x133: {  	[tilespmem:s20], [sflag:$0x2] =	stream.indirect.gather [hbm4b:s1+s16], $0x80, s3, s16, $0xb8;
	[tilespmem:$0xCA80] =	vst v63  }
.Ltmp5:
0x134: {  	_ = 	snop;
	(pc) =	sbr.rel .LBB2_2-.Ltmp5, $4  }
0x135: {  	s12 =	sadd.s32 $0x2C0, s0  }
0x136: {  	[tilespmem:s22], [sflag:$0x2] =	stream.indirect.gather [hbm4b:s2+s16], $0x80, s12, s16, $0xb8;
	[tilespmem:$0xCA80] =	vst v63  }
0x137: {  	s17 =	sadd.s32 $0x4C0, s0;
	s31 =	sadd.s32 $0x1, s31  }
0x138: {  	[tilespmem:s24], [sflag:$0x2] =	stream.indirect.gather [hbm4b:s2+s16], $0x80, s17, s16, $0xb8;
	[tilespmem:$0xCA80] =	vst v63  }
.LBB2_9:
0x139: {  	_ =	sfence.sel $0x180000  }
0x13a: {  	[bflag:$0x0] =	sbarrier.arrive $0xFFFF  }
0x13b: {  	_ =	strace $0x90000047  }
0x13c: {  	s0 =	stileid.u32;
	[bflag:$0x2] =	sbarrier.arrive $0xFFFF  }
0x13d: {  	p0 =	sne.s32 s0, $0x0;
	s0 =	rddreg [dreg:$0x8]  }
0x13e: {  	s0 =	sadd.s32 @!p0 $0x100000, s0  }
0x13f: {  	[sflag:s0] =	ssyncadd.tile.s32 @!p0 $0x1;
	_ =	shalt  }
.Lfunc_end2:
_tile_overlayer_lowered:
.L_overlay_start_2:
0x140: {  	(tag) =	ssettag $0x2  }
0x141: {  	s0 =	rddreg [dreg:$0x0];
	s2 =	stileid.u32  }
0x142: {  	s1 =	rddreg [dreg:$0x1];
	p0 =	sne.s32 s2, $0x0  }
0x143: {  	s3 =	rddreg [dreg:$0x2];
	[bflag:$0x3] =	sbarrier.arrive $0xFFFF;
	s2 =	simm.s32 @!p0 $0x1C03  }
0x144: {  	[timem:s3], [sflag:s2] =	dma.local @!p0 [hbm:s0], s1  }
0x145: {  	s0 =	simm.s32 @!p0 $0x3  }
0x146: {  	_ =	swait.ge @!p0 [sflag:s0], s1  }
0x147: {  	s1 =	ssub.s32 @!p0 $0x0, s1;
	[sflag:s0] =	ssyncset.done @!p0 $0x0  }
0x148: {  	[sflag:s0] =	ssyncadd.s32 @!p0 s1  }
0x149: {  	[bflag:$0x3] =	sbarrier.arrive $0xFFFF  }
0x14a: {  	_ =	shalt  }

</sc_bundles>
